<compile_context>
chip_gen: v7x
topology: tpu7x:2x2x1
jax: 0.10.2.dev20260603
libtpu: 0.0.44.dev20260713+nightly
codegen_flags: <defaults>
</compile_context>

<pallas_src>
import functools
import math

import jax
import jax.numpy as jnp
from jax import lax
from jax.experimental import pallas as pl
from jax.experimental.pallas import tpu as pltpu
from jax.experimental.pallas import tpu_sc as plsc

D_MODEL = 64
VOCAB = 1000000
BATCH = 4096
SEQ = 200
SCALE = math.sqrt(D_MODEL)

_INFO = plsc.get_sparse_core_info()
_NC, _NS, _L = _INFO.num_cores, _INFO.num_subcores, _INFO.num_lanes
_NW = _NC * _NS

_B = BATCH * SEQ
_B_PER_W = _B // _NW
_BATCH_PER_W = BATCH // _NW
_ROWS_PER_CHUNK = 2
_CHUNK = _ROWS_PER_CHUNK * SEQ
_N_CHUNKS = _B_PER_W // _CHUNK
_IDX_SUB = 80
_N_SUB = _CHUNK // _IDX_SUB
_ROWS_UNROLL = 4


def _emb_kernel(x_hbm, table_hbm, out_hbm, idx_all, rows, sem_g0, sem_g1,
                sem_o0, sem_o1):
    wid = lax.axis_index("s") * _NC + lax.axis_index("c")
    base = wid * _B_PER_W
    brow0 = wid * _BATCH_PER_W
    sem_g = (sem_g0, sem_g1)
    sem_o = (sem_o0, sem_o1)

    pltpu.sync_copy(x_hbm.at[pl.ds(pl.multiple_of(base, 8), _B_PER_W)], idx_all)

    def fire_gathers(g, b):
        for k in range(_N_SUB):
            off = pl.multiple_of(g * _CHUNK + k * _IDX_SUB, 8)
            pltpu.async_copy(
                table_hbm.at[idx_all.at[pl.ds(off, _IDX_SUB)]],
                rows.at[b, pl.ds(k * _IDX_SUB, _IDX_SUB)],
                sem_g[b],
            )

    def wait_gathers(b):
        pltpu.make_async_copy(
            table_hbm.at[pl.ds(0, _CHUNK)], rows.at[b], sem_g[b]
        ).wait()

    def fire_writeout(g, b):
        br = brow0 + g * _ROWS_PER_CHUNK
        for j in range(_ROWS_PER_CHUNK):
            pltpu.async_copy(
                rows.at[b, pl.ds(j * SEQ, SEQ)], out_hbm.at[br + j], sem_o[b]
            )

    def wait_writeout(b):
        for j in range(_ROWS_PER_CHUNK):
            pltpu.make_async_copy(
                rows.at[b, pl.ds(j * SEQ, SEQ)], out_hbm.at[0], sem_o[b]
            ).wait()

    def scale_chunk(b):
        rr = rows.at[b]

        @plsc.parallel_loop(0, _CHUNK // _ROWS_UNROLL, unroll=2)
        def scale_body(r4):
            r0 = r4 * _ROWS_UNROLL
            for dr in range(_ROWS_UNROLL):
                for c4 in range(D_MODEL // _L):
                    sl = pl.ds(c4 * _L, _L)
                    rr[r0 + dr, sl] = rr[r0 + dr, sl] * SCALE

    fire_gathers(0, 0)

    def pair_body(gg, _):
        for b in (0, 1):
            g = gg * 2 + b

            @pl.when(g >= 1)
            def _():
                wait_writeout(1 - b)

            @pl.when(g + 1 < _N_CHUNKS)
            def _():
                fire_gathers(g + 1, 1 - b)

            wait_gathers(b)
            scale_chunk(b)
            fire_writeout(g, b)
        return None

    lax.fori_loop(0, _N_CHUNKS // 2, pair_body, None)
    wait_writeout(1)


@jax.jit
def _embed(x1d, table):
    mesh = plsc.VectorSubcoreMesh(core_axis_name="c", subcore_axis_name="s")
    fn = functools.partial(
        pl.kernel,
        mesh=mesh,
        out_type=jax.ShapeDtypeStruct((BATCH, SEQ, D_MODEL), jnp.float32),
        scratch_types=[
            pltpu.VMEM((_B_PER_W,), jnp.int32),
            pltpu.VMEM((2, _CHUNK, D_MODEL), jnp.float32),
            pltpu.SemaphoreType.DMA,
            pltpu.SemaphoreType.DMA,
            pltpu.SemaphoreType.DMA,
            pltpu.SemaphoreType.DMA,
        ],
        compiler_params=pltpu.CompilerParams(use_tc_tiling_on_sc=False),
    )(_emb_kernel)
    return fn(x1d, table)


def kernel(x, table):
    x1d = x.reshape(_B).astype(jnp.int32)
    return _embed(x1d, table)

# --- scband reference (transcript-rebuilt; emitter-appended) ---
"""Pipeline reference for scband-input-embeddings-61821759259492 (READ-ONLY COPY).

The authoritative reference and input builder live on the scoring server;
editing this copy changes nothing except your own understanding.
"""

import jax, jax.numpy as jnp
import numpy as np
import math

D_MODEL = 64
VOCAB = 1000000
BATCH = 4096
SEQ = 200

def setup_inputs(seed: int = 0) -> dict:
    key = jax.random.key(seed)
    k1, k2 = jax.random.split(key)
    x = jax.random.randint(k1, (BATCH, SEQ), 0, VOCAB, dtype=jnp.int64) if jax.config.jax_enable_x64 else jax.random.randint(k1, (BATCH, SEQ), 0, VOCAB, dtype=jnp.int32)
    table = jax.random.normal(k2, (VOCAB, D_MODEL), dtype=jnp.float32)
    return {"x": x, "table": table}

def reference(x, table):
    # InputEmbeddings.forward: embedding(x) * sqrt(d_model)
    emb = jnp.take(table, x, axis=0)
    return emb * math.sqrt(D_MODEL)

if __name__ == "__main__":
    import jax
    _d = setup_inputs()
    print(jax.jit(kernel)(*tuple(_d.values())))

</pallas_src>

<mosaic_0001>
#map = affine_map<(d0, d1) -> (0)>
#map1 = affine_map<(d0, d1) -> (0, 0)>
#map2 = affine_map<(d0, d1) -> (0, 0, 0)>
module attributes {stable_mosaic.version = 14 : i64} {
  func.func @_emb_kernel(%arg0: i32, %arg1: i32, %arg2: memref<819200xi32, #tpu.memory_space<hbm>>, %arg3: memref<1000000x64xf32, #tpu.memory_space<hbm>>, %arg4: memref<4096x200x64xf32, #tpu.memory_space<hbm>>, %arg5: memref<25600xi32, #tpu.memory_space<vmem>>, %arg6: memref<2x400x64xf32, #tpu.memory_space<vmem>>, %arg7: memref<!tpu.dma_semaphore, #tpu.memory_space<semaphore_mem>>, %arg8: memref<!tpu.dma_semaphore, #tpu.memory_space<semaphore_mem>>, %arg9: memref<!tpu.dma_semaphore, #tpu.memory_space<semaphore_mem>>, %arg10: memref<!tpu.dma_semaphore, #tpu.memory_space<semaphore_mem>>) attributes {dimension_semantics = [#tpu.dimension_semantics<core_parallel>, #tpu.dimension_semantics<subcore_parallel>], iteration_bounds = array<i64: 2, 16>, scalar_prefetch = 0 : i64, scratch_operands = 6 : i64, tpu.core_type = #tpu.core_type<sc_vector_subcore>, window_params = [{transform_indices = #map}, {transform_indices = #map1}, {transform_indices = #map2}]} {
    %mul3A = arith.constant 2 : i32
    %mul3A_0 = arith.muli %arg1, %mul3A : i32
    %add3A = arith.addi %mul3A_0, %arg0 : i32
    %mul3A_1 = arith.constant 25600 : i32
    %mul3A_2 = arith.muli %add3A, %mul3A_1 : i32
    %mul3A_3 = arith.constant 128 : i32
    %mul3A_4 = arith.muli %add3A, %mul3A_3 : i32
    %multiple_of3A = tpu.assume_multiple %mul3A_2, 8 : i32
    "tpu.region"() ({
      %run_scoped3A = tpu.sem_alloc : memref<!tpu.dma_semaphore, #tpu.memory_space<semaphore_mem>>
      %dma_start3A_98 = tpu.memref_slice %arg2[%multiple_of3A] : memref<819200xi32, #tpu.memory_space<hbm>> -> memref<25600xi32, #tpu.memory_space<hbm>>
      %dma_start3A_99 = tpu.memref_slice %arg2[%multiple_of3A] : memref<819200xi32, #tpu.memory_space<hbm>> -> memref<25600xi32, #tpu.memory_space<hbm>>
      tpu.enqueue_dma source(%dma_start3A_99 : memref<25600xi32, #tpu.memory_space<hbm>>) target(%arg5 : memref<25600xi32, #tpu.memory_space<vmem>>) target_semaphore(%run_scoped3A : memref<!tpu.dma_semaphore, #tpu.memory_space<semaphore_mem>>)
      %dma_wait3A_100 = tpu.memref_slice %arg2[%multiple_of3A] : memref<819200xi32, #tpu.memory_space<hbm>> -> memref<25600xi32, #tpu.memory_space<hbm>>
      %dma_wait3A_101 = tpu.memref_slice %arg2[%multiple_of3A] : memref<819200xi32, #tpu.memory_space<hbm>> -> memref<25600xi32, #tpu.memory_space<hbm>>
      tpu.wait_dma2 semaphore(%run_scoped3A : memref<!tpu.dma_semaphore, #tpu.memory_space<semaphore_mem>>) src(%dma_wait3A_101 : memref<25600xi32, #tpu.memory_space<hbm>>) dst(%arg5 : memref<25600xi32, #tpu.memory_space<vmem>>)
      tpu.yield
    }) : () -> ()
    %multiple_of3A_5 = arith.constant 0 : i32
    %multiple_of3A_6 = tpu.assume_multiple %multiple_of3A_5, 8 : i32
    %dma_start3A = arith.constant 0 : i32
    %dma_start3A_7 = arith.constant 0 : i32
    %dma_start3A_8 = arith.constant 0 : i32
    %dma_start3A_9 = tpu.memref_slice %arg6[%dma_start3A, %dma_start3A_7, %dma_start3A_8] : memref<2x400x64xf32, #tpu.memory_space<vmem>> -> memref<1x80x64xf32, #tpu.memory_space<vmem>>
    %dma_start3A_10 = tpu.memref_squeeze %dma_start3A_9 : memref<1x80x64xf32, #tpu.memory_space<vmem>> -> memref<80x64xf32, #tpu.memory_space<vmem>>
    %dma_start3A_11 = tpu.memref_slice %arg5[%multiple_of3A_6] : memref<25600xi32, #tpu.memory_space<vmem>> -> memref<80xi32, #tpu.memory_space<vmem>>
    %dma_start3A_12 = arith.constant 0 : i32
    %dma_start3A_13 = arith.constant 0 : i32
    %dma_start3A_14 = tpu.memref_slice %arg3[%dma_start3A_12, %dma_start3A_13] : memref<1000000x64xf32, #tpu.memory_space<hbm>> -> memref<1000000x64xf32, #tpu.memory_space<hbm>>
    tpu.enqueue_indirect_dma source(%dma_start3A_14 : memref<1000000x64xf32, #tpu.memory_space<hbm>>) target(%dma_start3A_10 : memref<80x64xf32, #tpu.memory_space<vmem>>) offsets(%dma_start3A_11 : memref<80xi32, #tpu.memory_space<vmem>>) semaphore(%arg7 : memref<!tpu.dma_semaphore, #tpu.memory_space<semaphore_mem>>)
    %multiple_of3A_15 = arith.constant 80 : i32
    %multiple_of3A_16 = tpu.assume_multiple %multiple_of3A_15, 8 : i32
    %dma_start3A_17 = arith.constant 0 : i32
    %dma_start3A_18 = arith.constant 80 : i32
    %dma_start3A_19 = arith.constant 0 : i32
    %dma_start3A_20 = tpu.memref_slice %arg6[%dma_start3A_17, %dma_start3A_18, %dma_start3A_19] : memref<2x400x64xf32, #tpu.memory_space<vmem>> -> memref<1x80x64xf32, #tpu.memory_space<vmem>>
    %dma_start3A_21 = tpu.memref_squeeze %dma_start3A_20 : memref<1x80x64xf32, #tpu.memory_space<vmem>> -> memref<80x64xf32, #tpu.memory_space<vmem>>
    %dma_start3A_22 = tpu.memref_slice %arg5[%multiple_of3A_16] : memref<25600xi32, #tpu.memory_space<vmem>> -> memref<80xi32, #tpu.memory_space<vmem>>
    %dma_start3A_23 = arith.constant 0 : i32
    %dma_start3A_24 = arith.constant 0 : i32
    %dma_start3A_25 = tpu.memref_slice %arg3[%dma_start3A_23, %dma_start3A_24] : memref<1000000x64xf32, #tpu.memory_space<hbm>> -> memref<1000000x64xf32, #tpu.memory_space<hbm>>
    tpu.enqueue_indirect_dma source(%dma_start3A_25 : memref<1000000x64xf32, #tpu.memory_space<hbm>>) target(%dma_start3A_21 : memref<80x64xf32, #tpu.memory_space<vmem>>) offsets(%dma_start3A_22 : memref<80xi32, #tpu.memory_space<vmem>>) semaphore(%arg7 : memref<!tpu.dma_semaphore, #tpu.memory_space<semaphore_mem>>)
    %multiple_of3A_26 = arith.constant 160 : i32
    %multiple_of3A_27 = tpu.assume_multiple %multiple_of3A_26, 8 : i32
    %dma_start3A_28 = arith.constant 0 : i32
    %dma_start3A_29 = arith.constant 160 : i32
    %dma_start3A_30 = arith.constant 0 : i32
    %dma_start3A_31 = tpu.memref_slice %arg6[%dma_start3A_28, %dma_start3A_29, %dma_start3A_30] : memref<2x400x64xf32, #tpu.memory_space<vmem>> -> memref<1x80x64xf32, #tpu.memory_space<vmem>>
    %dma_start3A_32 = tpu.memref_squeeze %dma_start3A_31 : memref<1x80x64xf32, #tpu.memory_space<vmem>> -> memref<80x64xf32, #tpu.memory_space<vmem>>
    %dma_start3A_33 = tpu.memref_slice %arg5[%multiple_of3A_27] : memref<25600xi32, #tpu.memory_space<vmem>> -> memref<80xi32, #tpu.memory_space<vmem>>
    %dma_start3A_34 = arith.constant 0 : i32
    %dma_start3A_35 = arith.constant 0 : i32
    %dma_start3A_36 = tpu.memref_slice %arg3[%dma_start3A_34, %dma_start3A_35] : memref<1000000x64xf32, #tpu.memory_space<hbm>> -> memref<1000000x64xf32, #tpu.memory_space<hbm>>
    tpu.enqueue_indirect_dma source(%dma_start3A_36 : memref<1000000x64xf32, #tpu.memory_space<hbm>>) target(%dma_start3A_32 : memref<80x64xf32, #tpu.memory_space<vmem>>) offsets(%dma_start3A_33 : memref<80xi32, #tpu.memory_space<vmem>>) semaphore(%arg7 : memref<!tpu.dma_semaphore, #tpu.memory_space<semaphore_mem>>)
    %multiple_of3A_37 = arith.constant 240 : i32
    %multiple_of3A_38 = tpu.assume_multiple %multiple_of3A_37, 8 : i32
    %dma_start3A_39 = arith.constant 0 : i32
    %dma_start3A_40 = arith.constant 240 : i32
    %dma_start3A_41 = arith.constant 0 : i32
    %dma_start3A_42 = tpu.memref_slice %arg6[%dma_start3A_39, %dma_start3A_40, %dma_start3A_41] : memref<2x400x64xf32, #tpu.memory_space<vmem>> -> memref<1x80x64xf32, #tpu.memory_space<vmem>>
    %dma_start3A_43 = tpu.memref_squeeze %dma_start3A_42 : memref<1x80x64xf32, #tpu.memory_space<vmem>> -> memref<80x64xf32, #tpu.memory_space<vmem>>
    %dma_start3A_44 = tpu.memref_slice %arg5[%multiple_of3A_38] : memref<25600xi32, #tpu.memory_space<vmem>> -> memref<80xi32, #tpu.memory_space<vmem>>
    %dma_start3A_45 = arith.constant 0 : i32
    %dma_start3A_46 = arith.constant 0 : i32
    %dma_start3A_47 = tpu.memref_slice %arg3[%dma_start3A_45, %dma_start3A_46] : memref<1000000x64xf32, #tpu.memory_space<hbm>> -> memref<1000000x64xf32, #tpu.memory_space<hbm>>
    tpu.enqueue_indirect_dma source(%dma_start3A_47 : memref<1000000x64xf32, #tpu.memory_space<hbm>>) target(%dma_start3A_43 : memref<80x64xf32, #tpu.memory_space<vmem>>) offsets(%dma_start3A_44 : memref<80xi32, #tpu.memory_space<vmem>>) semaphore(%arg7 : memref<!tpu.dma_semaphore, #tpu.memory_space<semaphore_mem>>)
    %multiple_of3A_48 = arith.constant 320 : i32
    %multiple_of3A_49 = tpu.assume_multiple %multiple_of3A_48, 8 : i32
    %dma_start3A_50 = arith.constant 0 : i32
    %dma_start3A_51 = arith.constant 320 : i32
    %dma_start3A_52 = arith.constant 0 : i32
    %dma_start3A_53 = tpu.memref_slice %arg6[%dma_start3A_50, %dma_start3A_51, %dma_start3A_52] : memref<2x400x64xf32, #tpu.memory_space<vmem>> -> memref<1x80x64xf32, #tpu.memory_space<vmem>>
    %dma_start3A_54 = tpu.memref_squeeze %dma_start3A_53 : memref<1x80x64xf32, #tpu.memory_space<vmem>> -> memref<80x64xf32, #tpu.memory_space<vmem>>
    %dma_start3A_55 = tpu.memref_slice %arg5[%multiple_of3A_49] : memref<25600xi32, #tpu.memory_space<vmem>> -> memref<80xi32, #tpu.memory_space<vmem>>
    %dma_start3A_56 = arith.constant 0 : i32
    %dma_start3A_57 = arith.constant 0 : i32
    %dma_start3A_58 = tpu.memref_slice %arg3[%dma_start3A_56, %dma_start3A_57] : memref<1000000x64xf32, #tpu.memory_space<hbm>> -> memref<1000000x64xf32, #tpu.memory_space<hbm>>
    tpu.enqueue_indirect_dma source(%dma_start3A_58 : memref<1000000x64xf32, #tpu.memory_space<hbm>>) target(%dma_start3A_54 : memref<80x64xf32, #tpu.memory_space<vmem>>) offsets(%dma_start3A_55 : memref<80xi32, #tpu.memory_space<vmem>>) semaphore(%arg7 : memref<!tpu.dma_semaphore, #tpu.memory_space<semaphore_mem>>)
    %scan3A = arith.constant 0 : i32
    %scan3A_59 = arith.constant 32 : i32
    %scan3A_60 = arith.addi %scan3A, %scan3A_59 : i32
    %scan3A_61 = arith.constant 1 : i32
    scf.for %scan3A_98 = %scan3A to %scan3A_60 step %scan3A_61  : i32 {
      %mul3A_99 = arith.constant 2 : i32
      %mul3A_100 = arith.muli %scan3A_98, %mul3A_99 : i32
      %add3A_101 = arith.constant 0 : i32
      %add3A_102 = arith.addi %mul3A_100, %add3A_101 : i32
      %ge3A = arith.constant 1 : i32
      %ge3A_103 = arith.cmpi sge, %add3A_102, %ge3A : i32
      %convert_element_type3A = arith.extui %ge3A_103 : i1 to i32
      %cond3A = arith.constant 0 : i32
      %cond3A_104 = arith.cmpi ne, %convert_element_type3A, %cond3A : i32
      scf.if %cond3A_104 {
        %dma_wait3A_246 = arith.constant 1 : i32
        %dma_wait3A_247 = arith.constant 0 : i32
        %dma_wait3A_248 = arith.constant 0 : i32
        %dma_wait3A_249 = arith.constant 0 : i32
        %dma_wait3A_250 = tpu.memref_slice %arg6[%dma_wait3A_246, %dma_wait3A_248, %dma_wait3A_249] : memref<2x400x64xf32, #tpu.memory_space<vmem>> -> memref<1x200x64xf32, #tpu.memory_space<vmem>>
        %dma_wait3A_251 = tpu.memref_squeeze %dma_wait3A_250 : memref<1x200x64xf32, #tpu.memory_space<vmem>> -> memref<200x64xf32, #tpu.memory_space<vmem>>
        %dma_wait3A_252 = arith.constant 0 : i32
        %dma_wait3A_253 = arith.constant 0 : i32
        %dma_wait3A_254 = tpu.memref_slice %arg4[%dma_wait3A_247, %dma_wait3A_252, %dma_wait3A_253] : memref<4096x200x64xf32, #tpu.memory_space<hbm>> -> memref<1x200x64xf32, #tpu.memory_space<hbm>>
        %dma_wait3A_255 = tpu.memref_squeeze %dma_wait3A_254 : memref<1x200x64xf32, #tpu.memory_space<hbm>> -> memref<200x64xf32, #tpu.memory_space<hbm>>
        %dma_wait3A_256 = arith.constant 0 : i32
        %dma_wait3A_257 = arith.constant 0 : i32
        %dma_wait3A_258 = tpu.memref_slice %arg4[%dma_wait3A_247, %dma_wait3A_256, %dma_wait3A_257] : memref<4096x200x64xf32, #tpu.memory_space<hbm>> -> memref<1x200x64xf32, #tpu.memory_space<hbm>>
        %dma_wait3A_259 = tpu.memref_squeeze %dma_wait3A_258 : memref<1x200x64xf32, #tpu.memory_space<hbm>> -> memref<200x64xf32, #tpu.memory_space<hbm>>
        %dma_wait3A_260 = arith.constant 0 : i32
        %dma_wait3A_261 = arith.constant 0 : i32
        %dma_wait3A_262 = tpu.memref_slice %arg6[%dma_wait3A_246, %dma_wait3A_260, %dma_wait3A_261] : memref<2x400x64xf32, #tpu.memory_space<vmem>> -> memref<1x200x64xf32, #tpu.memory_space<vmem>>
        %dma_wait3A_263 = tpu.memref_squeeze %dma_wait3A_262 : memref<1x200x64xf32, #tpu.memory_space<vmem>> -> memref<200x64xf32, #tpu.memory_space<vmem>>
        tpu.wait_dma2 semaphore(%arg10 : memref<!tpu.dma_semaphore, #tpu.memory_space<semaphore_mem>>) src(%dma_wait3A_263 : memref<200x64xf32, #tpu.memory_space<vmem>>) dst(%dma_wait3A_259 : memref<200x64xf32, #tpu.memory_space<hbm>>)
        %dma_wait3A_264 = arith.constant 1 : i32
        %dma_wait3A_265 = arith.constant 0 : i32
        %dma_wait3A_266 = arith.constant 200 : i32
        %dma_wait3A_267 = arith.constant 0 : i32
        %dma_wait3A_268 = tpu.memref_slice %arg6[%dma_wait3A_264, %dma_wait3A_266, %dma_wait3A_267] : memref<2x400x64xf32, #tpu.memory_space<vmem>> -> memref<1x200x64xf32, #tpu.memory_space<vmem>>
        %dma_wait3A_269 = tpu.memref_squeeze %dma_wait3A_268 : memref<1x200x64xf32, #tpu.memory_space<vmem>> -> memref<200x64xf32, #tpu.memory_space<vmem>>
        %dma_wait3A_270 = arith.constant 0 : i32
        %dma_wait3A_271 = arith.constant 0 : i32
        %dma_wait3A_272 = tpu.memref_slice %arg4[%dma_wait3A_265, %dma_wait3A_270, %dma_wait3A_271] : memref<4096x200x64xf32, #tpu.memory_space<hbm>> -> memref<1x200x64xf32, #tpu.memory_space<hbm>>
        %dma_wait3A_273 = tpu.memref_squeeze %dma_wait3A_272 : memref<1x200x64xf32, #tpu.memory_space<hbm>> -> memref<200x64xf32, #tpu.memory_space<hbm>>
        %dma_wait3A_274 = arith.constant 0 : i32
        %dma_wait3A_275 = arith.constant 0 : i32
        %dma_wait3A_276 = tpu.memref_slice %arg4[%dma_wait3A_265, %dma_wait3A_274, %dma_wait3A_275] : memref<4096x200x64xf32, #tpu.memory_space<hbm>> -> memref<1x200x64xf32, #tpu.memory_space<hbm>>
        %dma_wait3A_277 = tpu.memref_squeeze %dma_wait3A_276 : memref<1x200x64xf32, #tpu.memory_space<hbm>> -> memref<200x64xf32, #tpu.memory_space<hbm>>
        %dma_wait3A_278 = arith.constant 200 : i32
        %dma_wait3A_279 = arith.constant 0 : i32
        %dma_wait3A_280 = tpu.memref_slice %arg6[%dma_wait3A_264, %dma_wait3A_278, %dma_wait3A_279] : memref<2x400x64xf32, #tpu.memory_space<vmem>> -> memref<1x200x64xf32, #tpu.memory_space<vmem>>
        %dma_wait3A_281 = tpu.memref_squeeze %dma_wait3A_280 : memref<1x200x64xf32, #tpu.memory_space<vmem>> -> memref<200x64xf32, #tpu.memory_space<vmem>>
        tpu.wait_dma2 semaphore(%arg10 : memref<!tpu.dma_semaphore, #tpu.memory_space<semaphore_mem>>) src(%dma_wait3A_281 : memref<200x64xf32, #tpu.memory_space<vmem>>) dst(%dma_wait3A_277 : memref<200x64xf32, #tpu.memory_space<hbm>>)
      } else {
      }
      %add3A_105 = arith.constant 1 : i32
      %add3A_106 = arith.addi %add3A_102, %add3A_105 : i32
      %lt3A = arith.constant 64 : i32
      %lt3A_107 = arith.cmpi slt, %add3A_106, %lt3A : i32
      %convert_element_type3A_108 = arith.extui %lt3A_107 : i1 to i32
      %cond3A_109 = arith.constant 0 : i32
      %cond3A_110 = arith.cmpi ne, %convert_element_type3A_108, %cond3A_109 : i32
      scf.if %cond3A_110 {
        %add3A_246 = arith.constant 1 : i32
        %add3A_247 = arith.addi %add3A_102, %add3A_246 : i32
        %mul3A_248 = arith.constant 400 : i32
        %mul3A_249 = arith.muli %add3A_247, %mul3A_248 : i32
        %add3A_250 = arith.constant 0 : i32
        %add3A_251 = arith.addi %mul3A_249, %add3A_250 : i32
        %multiple_of3A_252 = tpu.assume_multiple %add3A_251, 8 : i32
        %dma_start3A_253 = arith.constant 1 : i32
        %dma_start3A_254 = arith.constant 0 : i32
        %dma_start3A_255 = arith.constant 0 : i32
        %dma_start3A_256 = tpu.memref_slice %arg6[%dma_start3A_253, %dma_start3A_254, %dma_start3A_255] : memref<2x400x64xf32, #tpu.memory_space<vmem>> -> memref<1x80x64xf32, #tpu.memory_space<vmem>>
        %dma_start3A_257 = tpu.memref_squeeze %dma_start3A_256 : memref<1x80x64xf32, #tpu.memory_space<vmem>> -> memref<80x64xf32, #tpu.memory_space<vmem>>
        %dma_start3A_258 = tpu.memref_slice %arg5[%multiple_of3A_252] : memref<25600xi32, #tpu.memory_space<vmem>> -> memref<80xi32, #tpu.memory_space<vmem>>
        %dma_start3A_259 = arith.constant 0 : i32
        %dma_start3A_260 = arith.constant 0 : i32
        %dma_start3A_261 = tpu.memref_slice %arg3[%dma_start3A_259, %dma_start3A_260] : memref<1000000x64xf32, #tpu.memory_space<hbm>> -> memref<1000000x64xf32, #tpu.memory_space<hbm>>
        tpu.enqueue_indirect_dma source(%dma_start3A_261 : memref<1000000x64xf32, #tpu.memory_space<hbm>>) target(%dma_start3A_257 : memref<80x64xf32, #tpu.memory_space<vmem>>) offsets(%dma_start3A_258 : memref<80xi32, #tpu.memory_space<vmem>>) semaphore(%arg8 : memref<!tpu.dma_semaphore, #tpu.memory_space<semaphore_mem>>)
        %mul3A_262 = arith.constant 400 : i32
        %mul3A_263 = arith.muli %add3A_247, %mul3A_262 : i32
        %add3A_264 = arith.constant 80 : i32
        %add3A_265 = arith.addi %mul3A_263, %add3A_264 : i32
        %multiple_of3A_266 = tpu.assume_multiple %add3A_265, 8 : i32
        %dma_start3A_267 = arith.constant 1 : i32
        %dma_start3A_268 = arith.constant 80 : i32
        %dma_start3A_269 = arith.constant 0 : i32
        %dma_start3A_270 = tpu.memref_slice %arg6[%dma_start3A_267, %dma_start3A_268, %dma_start3A_269] : memref<2x400x64xf32, #tpu.memory_space<vmem>> -> memref<1x80x64xf32, #tpu.memory_space<vmem>>
        %dma_start3A_271 = tpu.memref_squeeze %dma_start3A_270 : memref<1x80x64xf32, #tpu.memory_space<vmem>> -> memref<80x64xf32, #tpu.memory_space<vmem>>
        %dma_start3A_272 = tpu.memref_slice %arg5[%multiple_of3A_266] : memref<25600xi32, #tpu.memory_space<vmem>> -> memref<80xi32, #tpu.memory_space<vmem>>
        %dma_start3A_273 = arith.constant 0 : i32
        %dma_start3A_274 = arith.constant 0 : i32
        %dma_start3A_275 = tpu.memref_slice %arg3[%dma_start3A_273, %dma_start3A_274] : memref<1000000x64xf32, #tpu.memory_space<hbm>> -> memref<1000000x64xf32, #tpu.memory_space<hbm>>
        tpu.enqueue_indirect_dma source(%dma_start3A_275 : memref<1000000x64xf32, #tpu.memory_space<hbm>>) target(%dma_start3A_271 : memref<80x64xf32, #tpu.memory_space<vmem>>) offsets(%dma_start3A_272 : memref<80xi32, #tpu.memory_space<vmem>>) semaphore(%arg8 : memref<!tpu.dma_semaphore, #tpu.memory_space<semaphore_mem>>)
        %mul3A_276 = arith.constant 400 : i32
        %mul3A_277 = arith.muli %add3A_247, %mul3A_276 : i32
        %add3A_278 = arith.constant 160 : i32
        %add3A_279 = arith.addi %mul3A_277, %add3A_278 : i32
        %multiple_of3A_280 = tpu.assume_multiple %add3A_279, 8 : i32
        %dma_start3A_281 = arith.constant 1 : i32
        %dma_start3A_282 = arith.constant 160 : i32
        %dma_start3A_283 = arith.constant 0 : i32
        %dma_start3A_284 = tpu.memref_slice %arg6[%dma_start3A_281, %dma_start3A_282, %dma_start3A_283] : memref<2x400x64xf32, #tpu.memory_space<vmem>> -> memref<1x80x64xf32, #tpu.memory_space<vmem>>
        %dma_start3A_285 = tpu.memref_squeeze %dma_start3A_284 : memref<1x80x64xf32, #tpu.memory_space<vmem>> -> memref<80x64xf32, #tpu.memory_space<vmem>>
        %dma_start3A_286 = tpu.memref_slice %arg5[%multiple_of3A_280] : memref<25600xi32, #tpu.memory_space<vmem>> -> memref<80xi32, #tpu.memory_space<vmem>>
        %dma_start3A_287 = arith.constant 0 : i32
        %dma_start3A_288 = arith.constant 0 : i32
        %dma_start3A_289 = tpu.memref_slice %arg3[%dma_start3A_287, %dma_start3A_288] : memref<1000000x64xf32, #tpu.memory_space<hbm>> -> memref<1000000x64xf32, #tpu.memory_space<hbm>>
        tpu.enqueue_indirect_dma source(%dma_start3A_289 : memref<1000000x64xf32, #tpu.memory_space<hbm>>) target(%dma_start3A_285 : memref<80x64xf32, #tpu.memory_space<vmem>>) offsets(%dma_start3A_286 : memref<80xi32, #tpu.memory_space<vmem>>) semaphore(%arg8 : memref<!tpu.dma_semaphore, #tpu.memory_space<semaphore_mem>>)
        %mul3A_290 = arith.constant 400 : i32
        %mul3A_291 = arith.muli %add3A_247, %mul3A_290 : i32
        %add3A_292 = arith.constant 240 : i32
        %add3A_293 = arith.addi %mul3A_291, %add3A_292 : i32
        %multiple_of3A_294 = tpu.assume_multiple %add3A_293, 8 : i32
        %dma_start3A_295 = arith.constant 1 : i32
        %dma_start3A_296 = arith.constant 240 : i32
        %dma_start3A_297 = arith.constant 0 : i32
        %dma_start3A_298 = tpu.memref_slice %arg6[%dma_start3A_295, %dma_start3A_296, %dma_start3A_297] : memref<2x400x64xf32, #tpu.memory_space<vmem>> -> memref<1x80x64xf32, #tpu.memory_space<vmem>>
        %dma_start3A_299 = tpu.memref_squeeze %dma_start3A_298 : memref<1x80x64xf32, #tpu.memory_space<vmem>> -> memref<80x64xf32, #tpu.memory_space<vmem>>
        %dma_start3A_300 = tpu.memref_slice %arg5[%multiple_of3A_294] : memref<25600xi32, #tpu.memory_space<vmem>> -> memref<80xi32, #tpu.memory_space<vmem>>
        %dma_start3A_301 = arith.constant 0 : i32
        %dma_start3A_302 = arith.constant 0 : i32
        %dma_start3A_303 = tpu.memref_slice %arg3[%dma_start3A_301, %dma_start3A_302] : memref<1000000x64xf32, #tpu.memory_space<hbm>> -> memref<1000000x64xf32, #tpu.memory_space<hbm>>
        tpu.enqueue_indirect_dma source(%dma_start3A_303 : memref<1000000x64xf32, #tpu.memory_space<hbm>>) target(%dma_start3A_299 : memref<80x64xf32, #tpu.memory_space<vmem>>) offsets(%dma_start3A_300 : memref<80xi32, #tpu.memory_space<vmem>>) semaphore(%arg8 : memref<!tpu.dma_semaphore, #tpu.memory_space<semaphore_mem>>)
        %mul3A_304 = arith.constant 400 : i32
        %mul3A_305 = arith.muli %add3A_247, %mul3A_304 : i32
        %add3A_306 = arith.constant 320 : i32
        %add3A_307 = arith.addi %mul3A_305, %add3A_306 : i32
        %multiple_of3A_308 = tpu.assume_multiple %add3A_307, 8 : i32
        %dma_start3A_309 = arith.constant 1 : i32
        %dma_start3A_310 = arith.constant 320 : i32
        %dma_start3A_311 = arith.constant 0 : i32
        %dma_start3A_312 = tpu.memref_slice %arg6[%dma_start3A_309, %dma_start3A_310, %dma_start3A_311] : memref<2x400x64xf32, #tpu.memory_space<vmem>> -> memref<1x80x64xf32, #tpu.memory_space<vmem>>
        %dma_start3A_313 = tpu.memref_squeeze %dma_start3A_312 : memref<1x80x64xf32, #tpu.memory_space<vmem>> -> memref<80x64xf32, #tpu.memory_space<vmem>>
        %dma_start3A_314 = tpu.memref_slice %arg5[%multiple_of3A_308] : memref<25600xi32, #tpu.memory_space<vmem>> -> memref<80xi32, #tpu.memory_space<vmem>>
        %dma_start3A_315 = arith.constant 0 : i32
        %dma_start3A_316 = arith.constant 0 : i32
        %dma_start3A_317 = tpu.memref_slice %arg3[%dma_start3A_315, %dma_start3A_316] : memref<1000000x64xf32, #tpu.memory_space<hbm>> -> memref<1000000x64xf32, #tpu.memory_space<hbm>>
        tpu.enqueue_indirect_dma source(%dma_start3A_317 : memref<1000000x64xf32, #tpu.memory_space<hbm>>) target(%dma_start3A_313 : memref<80x64xf32, #tpu.memory_space<vmem>>) offsets(%dma_start3A_314 : memref<80xi32, #tpu.memory_space<vmem>>) semaphore(%arg8 : memref<!tpu.dma_semaphore, #tpu.memory_space<semaphore_mem>>)
      } else {
      }
      %dma_wait3A_111 = arith.constant 0 : i32
      %dma_wait3A_112 = arith.constant 0 : i32
      %dma_wait3A_113 = arith.constant 0 : i32
      %dma_wait3A_114 = tpu.memref_slice %arg6[%dma_wait3A_111, %dma_wait3A_112, %dma_wait3A_113] : memref<2x400x64xf32, #tpu.memory_space<vmem>> -> memref<1x400x64xf32, #tpu.memory_space<vmem>>
      %dma_wait3A_115 = tpu.memref_squeeze %dma_wait3A_114 : memref<1x400x64xf32, #tpu.memory_space<vmem>> -> memref<400x64xf32, #tpu.memory_space<vmem>>
      %dma_wait3A_116 = arith.constant 0 : i32
      %dma_wait3A_117 = arith.constant 0 : i32
      %dma_wait3A_118 = tpu.memref_slice %arg3[%dma_wait3A_116, %dma_wait3A_117] : memref<1000000x64xf32, #tpu.memory_space<hbm>> -> memref<400x64xf32, #tpu.memory_space<hbm>>
      %dma_wait3A_119 = arith.constant 0 : i32
      %dma_wait3A_120 = arith.constant 0 : i32
      %dma_wait3A_121 = tpu.memref_slice %arg6[%dma_wait3A_111, %dma_wait3A_119, %dma_wait3A_120] : memref<2x400x64xf32, #tpu.memory_space<vmem>> -> memref<1x400x64xf32, #tpu.memory_space<vmem>>
      %dma_wait3A_122 = tpu.memref_squeeze %dma_wait3A_121 : memref<1x400x64xf32, #tpu.memory_space<vmem>> -> memref<400x64xf32, #tpu.memory_space<vmem>>
      %dma_wait3A_123 = arith.constant 0 : i32
      %dma_wait3A_124 = arith.constant 0 : i32
      %dma_wait3A_125 = tpu.memref_slice %arg3[%dma_wait3A_123, %dma_wait3A_124] : memref<1000000x64xf32, #tpu.memory_space<hbm>> -> memref<400x64xf32, #tpu.memory_space<hbm>>
      tpu.wait_dma2 semaphore(%arg7 : memref<!tpu.dma_semaphore, #tpu.memory_space<semaphore_mem>>) src(%dma_wait3A_125 : memref<400x64xf32, #tpu.memory_space<hbm>>) dst(%dma_wait3A_122 : memref<400x64xf32, #tpu.memory_space<vmem>>)
      %parallel_loop3A = arith.constant 0 : i32
      %parallel_loop3A_126 = arith.constant 100 : i32
      %parallel_loop3A_127 = arith.constant 1 : i32
      %parallel_loop3A_128 = arith.constant 0 : i32
      scf.for %parallel_loop3A_246 = %parallel_loop3A to %parallel_loop3A_126 step %parallel_loop3A_127  : i32 {
        %parallel_loop3A_247 = arith.constant 4 : i32
        %parallel_loop3A_248 = arith.muli %parallel_loop3A_246, %parallel_loop3A_247 : i32
        %parallel_loop3A_249 = arith.constant 0 : i32
        %parallel_loop3A_250 = arith.addi %parallel_loop3A_248, %parallel_loop3A_249 : i32
        %parallel_loop3A_251 = arith.constant 0 : i32
        %parallel_loop3A_252 = arith.constant 0 : i32
        %parallel_loop3A_253 = tpu.memref_slice %arg6[%parallel_loop3A_128, %parallel_loop3A_251, %parallel_loop3A_252] : memref<2x400x64xf32, #tpu.memory_space<vmem>> -> memref<1x400x64xf32, #tpu.memory_space<vmem>>
        %parallel_loop3A_254 = tpu.memref_squeeze %parallel_loop3A_253 : memref<1x400x64xf32, #tpu.memory_space<vmem>> -> memref<400x64xf32, #tpu.memory_space<vmem>>
        %parallel_loop3A_255 = arith.index_cast %parallel_loop3A_250 : i32 to index
        %parallel_loop3A_256 = arith.constant 0 : index
        %parallel_loop3A_257 = tpu.vector_load %parallel_loop3A_254[%parallel_loop3A_255, %parallel_loop3A_256] {strides = array<i32>} : memref<400x64xf32, #tpu.memory_space<vmem>>, vector<1x16xf32>,
        %parallel_loop3A_258 = vector.shape_cast %parallel_loop3A_257 : vector<1x16xf32> to vector<16xf32>
        %parallel_loop3A_259 = arith.constant 8.000000e+00 : f32
        %parallel_loop3A_260 = vector.broadcast %parallel_loop3A_259 : f32 to vector<16xf32>
        %parallel_loop3A_261 = arith.mulf %parallel_loop3A_258, %parallel_loop3A_260 : vector<16xf32>
        %parallel_loop3A_262 = arith.constant 0 : i32
        %parallel_loop3A_263 = arith.addi %parallel_loop3A_248, %parallel_loop3A_262 : i32
        %parallel_loop3A_264 = arith.constant 0 : i32
        %parallel_loop3A_265 = arith.constant 0 : i32
        %parallel_loop3A_266 = tpu.memref_slice %arg6[%parallel_loop3A_128, %parallel_loop3A_264, %parallel_loop3A_265] : memref<2x400x64xf32, #tpu.memory_space<vmem>> -> memref<1x400x64xf32, #tpu.memory_space<vmem>>
        %parallel_loop3A_267 = tpu.memref_squeeze %parallel_loop3A_266 : memref<1x400x64xf32, #tpu.memory_space<vmem>> -> memref<400x64xf32, #tpu.memory_space<vmem>>
        %parallel_loop3A_268 = arith.index_cast %parallel_loop3A_263 : i32 to index
        %parallel_loop3A_269 = arith.constant 0 : index
        %parallel_loop3A_270 = tpu.vector_load %parallel_loop3A_267[%parallel_loop3A_268, %parallel_loop3A_269] {strides = array<i32>} : memref<400x64xf32, #tpu.memory_space<vmem>>, vector<1x16xf32>,
        %parallel_loop3A_271 = vector.shape_cast %parallel_loop3A_270 : vector<1x16xf32> to vector<16xf32>
        %parallel_loop3A_272 = vector.shape_cast %parallel_loop3A_261 : vector<16xf32> to vector<1x16xf32>
        tpu.vector_store %parallel_loop3A_267[%parallel_loop3A_268, %parallel_loop3A_269], %parallel_loop3A_272 {strides = array<i32>} : memref<400x64xf32, #tpu.memory_space<vmem>>, vector<1x16xf32>,
        %parallel_loop3A_273 = arith.constant 0 : i32
        %parallel_loop3A_274 = arith.addi %parallel_loop3A_248, %parallel_loop3A_273 : i32
        %parallel_loop3A_275 = arith.constant 0 : i32
        %parallel_loop3A_276 = arith.constant 0 : i32
        %parallel_loop3A_277 = tpu.memref_slice %arg6[%parallel_loop3A_128, %parallel_loop3A_275, %parallel_loop3A_276] : memref<2x400x64xf32, #tpu.memory_space<vmem>> -> memref<1x400x64xf32, #tpu.memory_space<vmem>>
        %parallel_loop3A_278 = tpu.memref_squeeze %parallel_loop3A_277 : memref<1x400x64xf32, #tpu.memory_space<vmem>> -> memref<400x64xf32, #tpu.memory_space<vmem>>
        %parallel_loop3A_279 = arith.index_cast %parallel_loop3A_274 : i32 to index
        %parallel_loop3A_280 = arith.constant 16 : index
        %parallel_loop3A_281 = tpu.vector_load %parallel_loop3A_278[%parallel_loop3A_279, %parallel_loop3A_280] {strides = array<i32>} : memref<400x64xf32, #tpu.memory_space<vmem>>, vector<1x16xf32>,
        %parallel_loop3A_282 = vector.shape_cast %parallel_loop3A_281 : vector<1x16xf32> to vector<16xf32>
        %parallel_loop3A_283 = arith.constant 8.000000e+00 : f32
        %parallel_loop3A_284 = vector.broadcast %parallel_loop3A_283 : f32 to vector<16xf32>
        %parallel_loop3A_285 = arith.mulf %parallel_loop3A_282, %parallel_loop3A_284 : vector<16xf32>
        %parallel_loop3A_286 = arith.constant 0 : i32
        %parallel_loop3A_287 = arith.addi %parallel_loop3A_248, %parallel_loop3A_286 : i32
        %parallel_loop3A_288 = arith.constant 0 : i32
        %parallel_loop3A_289 = arith.constant 0 : i32
        %parallel_loop3A_290 = tpu.memref_slice %arg6[%parallel_loop3A_128, %parallel_loop3A_288, %parallel_loop3A_289] : memref<2x400x64xf32, #tpu.memory_space<vmem>> -> memref<1x400x64xf32, #tpu.memory_space<vmem>>
        %parallel_loop3A_291 = tpu.memref_squeeze %parallel_loop3A_290 : memref<1x400x64xf32, #tpu.memory_space<vmem>> -> memref<400x64xf32, #tpu.memory_space<vmem>>
        %parallel_loop3A_292 = arith.index_cast %parallel_loop3A_287 : i32 to index
        %parallel_loop3A_293 = arith.constant 16 : index
        %parallel_loop3A_294 = tpu.vector_load %parallel_loop3A_291[%parallel_loop3A_292, %parallel_loop3A_293] {strides = array<i32>} : memref<400x64xf32, #tpu.memory_space<vmem>>, vector<1x16xf32>,
        %parallel_loop3A_295 = vector.shape_cast %parallel_loop3A_294 : vector<1x16xf32> to vector<16xf32>
        %parallel_loop3A_296 = vector.shape_cast %parallel_loop3A_285 : vector<16xf32> to vector<1x16xf32>
        tpu.vector_store %parallel_loop3A_291[%parallel_loop3A_292, %parallel_loop3A_293], %parallel_loop3A_296 {strides = array<i32>} : memref<400x64xf32, #tpu.memory_space<vmem>>, vector<1x16xf32>,
        %parallel_loop3A_297 = arith.constant 0 : i32
        %parallel_loop3A_298 = arith.addi %parallel_loop3A_248, %parallel_loop3A_297 : i32
        %parallel_loop3A_299 = arith.constant 0 : i32
        %parallel_loop3A_300 = arith.constant 0 : i32
        %parallel_loop3A_301 = tpu.memref_slice %arg6[%parallel_loop3A_128, %parallel_loop3A_299, %parallel_loop3A_300] : memref<2x400x64xf32, #tpu.memory_space<vmem>> -> memref<1x400x64xf32, #tpu.memory_space<vmem>>
        %parallel_loop3A_302 = tpu.memref_squeeze %parallel_loop3A_301 : memref<1x400x64xf32, #tpu.memory_space<vmem>> -> memref<400x64xf32, #tpu.memory_space<vmem>>
        %parallel_loop3A_303 = arith.index_cast %parallel_loop3A_298 : i32 to index
        %parallel_loop3A_304 = arith.constant 32 : index
        %parallel_loop3A_305 = tpu.vector_load %parallel_loop3A_302[%parallel_loop3A_303, %parallel_loop3A_304] {strides = array<i32>} : memref<400x64xf32, #tpu.memory_space<vmem>>, vector<1x16xf32>,
        %parallel_loop3A_306 = vector.shape_cast %parallel_loop3A_305 : vector<1x16xf32> to vector<16xf32>
        %parallel_loop3A_307 = arith.constant 8.000000e+00 : f32
        %parallel_loop3A_308 = vector.broadcast %parallel_loop3A_307 : f32 to vector<16xf32>
        %parallel_loop3A_309 = arith.mulf %parallel_loop3A_306, %parallel_loop3A_308 : vector<16xf32>
        %parallel_loop3A_310 = arith.constant 0 : i32
        %parallel_loop3A_311 = arith.addi %parallel_loop3A_248, %parallel_loop3A_310 : i32
        %parallel_loop3A_312 = arith.constant 0 : i32
        %parallel_loop3A_313 = arith.constant 0 : i32
        %parallel_loop3A_314 = tpu.memref_slice %arg6[%parallel_loop3A_128, %parallel_loop3A_312, %parallel_loop3A_313] : memref<2x400x64xf32, #tpu.memory_space<vmem>> -> memref<1x400x64xf32, #tpu.memory_space<vmem>>
        %parallel_loop3A_315 = tpu.memref_squeeze %parallel_loop3A_314 : memref<1x400x64xf32, #tpu.memory_space<vmem>> -> memref<400x64xf32, #tpu.memory_space<vmem>>
        %parallel_loop3A_316 = arith.index_cast %parallel_loop3A_311 : i32 to index
        %parallel_loop3A_317 = arith.constant 32 : index
        %parallel_loop3A_318 = tpu.vector_load %parallel_loop3A_315[%parallel_loop3A_316, %parallel_loop3A_317] {strides = array<i32>} : memref<400x64xf32, #tpu.memory_space<vmem>>, vector<1x16xf32>,
        %parallel_loop3A_319 = vector.shape_cast %parallel_loop3A_318 : vector<1x16xf32> to vector<16xf32>
        %parallel_loop3A_320 = vector.shape_cast %parallel_loop3A_309 : vector<16xf32> to vector<1x16xf32>
        tpu.vector_store %parallel_loop3A_315[%parallel_loop3A_316, %parallel_loop3A_317], %parallel_loop3A_320 {strides = array<i32>} : memref<400x64xf32, #tpu.memory_space<vmem>>, vector<1x16xf32>,
        %parallel_loop3A_321 = arith.constant 0 : i32
        %parallel_loop3A_322 = arith.addi %parallel_loop3A_248, %parallel_loop3A_321 : i32
        %parallel_loop3A_323 = arith.constant 0 : i32
        %parallel_loop3A_324 = arith.constant 0 : i32
        %parallel_loop3A_325 = tpu.memref_slice %arg6[%parallel_loop3A_128, %parallel_loop3A_323, %parallel_loop3A_324] : memref<2x400x64xf32, #tpu.memory_space<vmem>> -> memref<1x400x64xf32, #tpu.memory_space<vmem>>
        %parallel_loop3A_326 = tpu.memref_squeeze %parallel_loop3A_325 : memref<1x400x64xf32, #tpu.memory_space<vmem>> -> memref<400x64xf32, #tpu.memory_space<vmem>>
        %parallel_loop3A_327 = arith.index_cast %parallel_loop3A_322 : i32 to index
        %parallel_loop3A_328 = arith.constant 48 : index
        %parallel_loop3A_329 = tpu.vector_load %parallel_loop3A_326[%parallel_loop3A_327, %parallel_loop3A_328] {strides = array<i32>} : memref<400x64xf32, #tpu.memory_space<vmem>>, vector<1x16xf32>,
        %parallel_loop3A_330 = vector.shape_cast %parallel_loop3A_329 : vector<1x16xf32> to vector<16xf32>
        %parallel_loop3A_331 = arith.constant 8.000000e+00 : f32
        %parallel_loop3A_332 = vector.broadcast %parallel_loop3A_331 : f32 to vector<16xf32>
        %parallel_loop3A_333 = arith.mulf %parallel_loop3A_330, %parallel_loop3A_332 : vector<16xf32>
        %parallel_loop3A_334 = arith.constant 0 : i32
        %parallel_loop3A_335 = arith.addi %parallel_loop3A_248, %parallel_loop3A_334 : i32
        %parallel_loop3A_336 = arith.constant 0 : i32
        %parallel_loop3A_337 = arith.constant 0 : i32
        %parallel_loop3A_338 = tpu.memref_slice %arg6[%parallel_loop3A_128, %parallel_loop3A_336, %parallel_loop3A_337] : memref<2x400x64xf32, #tpu.memory_space<vmem>> -> memref<1x400x64xf32, #tpu.memory_space<vmem>>
        %parallel_loop3A_339 = tpu.memref_squeeze %parallel_loop3A_338 : memref<1x400x64xf32, #tpu.memory_space<vmem>> -> memref<400x64xf32, #tpu.memory_space<vmem>>
        %parallel_loop3A_340 = arith.index_cast %parallel_loop3A_335 : i32 to index
        %parallel_loop3A_341 = arith.constant 48 : index
        %parallel_loop3A_342 = tpu.vector_load %parallel_loop3A_339[%parallel_loop3A_340, %parallel_loop3A_341] {strides = array<i32>} : memref<400x64xf32, #tpu.memory_space<vmem>>, vector<1x16xf32>,
        %parallel_loop3A_343 = vector.shape_cast %parallel_loop3A_342 : vector<1x16xf32> to vector<16xf32>
        %parallel_loop3A_344 = vector.shape_cast %parallel_loop3A_333 : vector<16xf32> to vector<1x16xf32>
        tpu.vector_store %parallel_loop3A_339[%parallel_loop3A_340, %parallel_loop3A_341], %parallel_loop3A_344 {strides = array<i32>} : memref<400x64xf32, #tpu.memory_space<vmem>>, vector<1x16xf32>,
        %parallel_loop3A_345 = arith.constant 1 : i32
        %parallel_loop3A_346 = arith.addi %parallel_loop3A_248, %parallel_loop3A_345 : i32
        %parallel_loop3A_347 = arith.constant 0 : i32
        %parallel_loop3A_348 = arith.constant 0 : i32
        %parallel_loop3A_349 = tpu.memref_slice %arg6[%parallel_loop3A_128, %parallel_loop3A_347, %parallel_loop3A_348] : memref<2x400x64xf32, #tpu.memory_space<vmem>> -> memref<1x400x64xf32, #tpu.memory_space<vmem>>
        %parallel_loop3A_350 = tpu.memref_squeeze %parallel_loop3A_349 : memref<1x400x64xf32, #tpu.memory_space<vmem>> -> memref<400x64xf32, #tpu.memory_space<vmem>>
        %parallel_loop3A_351 = arith.index_cast %parallel_loop3A_346 : i32 to index
        %parallel_loop3A_352 = arith.constant 0 : index
        %parallel_loop3A_353 = tpu.vector_load %parallel_loop3A_350[%parallel_loop3A_351, %parallel_loop3A_352] {strides = array<i32>} : memref<400x64xf32, #tpu.memory_space<vmem>>, vector<1x16xf32>,
        %parallel_loop3A_354 = vector.shape_cast %parallel_loop3A_353 : vector<1x16xf32> to vector<16xf32>
        %parallel_loop3A_355 = arith.constant 8.000000e+00 : f32
        %parallel_loop3A_356 = vector.broadcast %parallel_loop3A_355 : f32 to vector<16xf32>
        %parallel_loop3A_357 = arith.mulf %parallel_loop3A_354, %parallel_loop3A_356 : vector<16xf32>
        %parallel_loop3A_358 = arith.constant 1 : i32
        %parallel_loop3A_359 = arith.addi %parallel_loop3A_248, %parallel_loop3A_358 : i32
        %parallel_loop3A_360 = arith.constant 0 : i32
        %parallel_loop3A_361 = arith.constant 0 : i32
        %parallel_loop3A_362 = tpu.memref_slice %arg6[%parallel_loop3A_128, %parallel_loop3A_360, %parallel_loop3A_361] : memref<2x400x64xf32, #tpu.memory_space<vmem>> -> memref<1x400x64xf32, #tpu.memory_space<vmem>>
        %parallel_loop3A_363 = tpu.memref_squeeze %parallel_loop3A_362 : memref<1x400x64xf32, #tpu.memory_space<vmem>> -> memref<400x64xf32, #tpu.memory_space<vmem>>
        %parallel_loop3A_364 = arith.index_cast %parallel_loop3A_359 : i32 to index
        %parallel_loop3A_365 = arith.constant 0 : index
        %parallel_loop3A_366 = tpu.vector_load %parallel_loop3A_363[%parallel_loop3A_364, %parallel_loop3A_365] {strides = array<i32>} : memref<400x64xf32, #tpu.memory_space<vmem>>, vector<1x16xf32>,
        %parallel_loop3A_367 = vector.shape_cast %parallel_loop3A_366 : vector<1x16xf32> to vector<16xf32>
        %parallel_loop3A_368 = vector.shape_cast %parallel_loop3A_357 : vector<16xf32> to vector<1x16xf32>
        tpu.vector_store %parallel_loop3A_363[%parallel_loop3A_364, %parallel_loop3A_365], %parallel_loop3A_368 {strides = array<i32>} : memref<400x64xf32, #tpu.memory_space<vmem>>, vector<1x16xf32>,
        %parallel_loop3A_369 = arith.constant 1 : i32
        %parallel_loop3A_370 = arith.addi %parallel_loop3A_248, %parallel_loop3A_369 : i32
        %parallel_loop3A_371 = arith.constant 0 : i32
        %parallel_loop3A_372 = arith.constant 0 : i32
        %parallel_loop3A_373 = tpu.memref_slice %arg6[%parallel_loop3A_128, %parallel_loop3A_371, %parallel_loop3A_372] : memref<2x400x64xf32, #tpu.memory_space<vmem>> -> memref<1x400x64xf32, #tpu.memory_space<vmem>>
        %parallel_loop3A_374 = tpu.memref_squeeze %parallel_loop3A_373 : memref<1x400x64xf32, #tpu.memory_space<vmem>> -> memref<400x64xf32, #tpu.memory_space<vmem>>
        %parallel_loop3A_375 = arith.index_cast %parallel_loop3A_370 : i32 to index
        %parallel_loop3A_376 = arith.constant 16 : index
        %parallel_loop3A_377 = tpu.vector_load %parallel_loop3A_374[%parallel_loop3A_375, %parallel_loop3A_376] {strides = array<i32>} : memref<400x64xf32, #tpu.memory_space<vmem>>, vector<1x16xf32>,
        %parallel_loop3A_378 = vector.shape_cast %parallel_loop3A_377 : vector<1x16xf32> to vector<16xf32>
        %parallel_loop3A_379 = arith.constant 8.000000e+00 : f32
        %parallel_loop3A_380 = vector.broadcast %parallel_loop3A_379 : f32 to vector<16xf32>
        %parallel_loop3A_381 = arith.mulf %parallel_loop3A_378, %parallel_loop3A_380 : vector<16xf32>
        %parallel_loop3A_382 = arith.constant 1 : i32
        %parallel_loop3A_383 = arith.addi %parallel_loop3A_248, %parallel_loop3A_382 : i32
        %parallel_loop3A_384 = arith.constant 0 : i32
        %parallel_loop3A_385 = arith.constant 0 : i32
        %parallel_loop3A_386 = tpu.memref_slice %arg6[%parallel_loop3A_128, %parallel_loop3A_384, %parallel_loop3A_385] : memref<2x400x64xf32, #tpu.memory_space<vmem>> -> memref<1x400x64xf32, #tpu.memory_space<vmem>>
        %parallel_loop3A_387 = tpu.memref_squeeze %parallel_loop3A_386 : memref<1x400x64xf32, #tpu.memory_space<vmem>> -> memref<400x64xf32, #tpu.memory_space<vmem>>
        %parallel_loop3A_388 = arith.index_cast %parallel_loop3A_383 : i32 to index
        %parallel_loop3A_389 = arith.constant 16 : index
        %parallel_loop3A_390 = tpu.vector_load %parallel_loop3A_387[%parallel_loop3A_388, %parallel_loop3A_389] {strides = array<i32>} : memref<400x64xf32, #tpu.memory_space<vmem>>, vector<1x16xf32>,
        %parallel_loop3A_391 = vector.shape_cast %parallel_loop3A_390 : vector<1x16xf32> to vector<16xf32>
        %parallel_loop3A_392 = vector.shape_cast %parallel_loop3A_381 : vector<16xf32> to vector<1x16xf32>
        tpu.vector_store %parallel_loop3A_387[%parallel_loop3A_388, %parallel_loop3A_389], %parallel_loop3A_392 {strides = array<i32>} : memref<400x64xf32, #tpu.memory_space<vmem>>, vector<1x16xf32>,
        %parallel_loop3A_393 = arith.constant 1 : i32
        %parallel_loop3A_394 = arith.addi %parallel_loop3A_248, %parallel_loop3A_393 : i32
        %parallel_loop3A_395 = arith.constant 0 : i32
        %parallel_loop3A_396 = arith.constant 0 : i32
        %parallel_loop3A_397 = tpu.memref_slice %arg6[%parallel_loop3A_128, %parallel_loop3A_395, %parallel_loop3A_396] : memref<2x400x64xf32, #tpu.memory_space<vmem>> -> memref<1x400x64xf32, #tpu.memory_space<vmem>>
        %parallel_loop3A_398 = tpu.memref_squeeze %parallel_loop3A_397 : memref<1x400x64xf32, #tpu.memory_space<vmem>> -> memref<400x64xf32, #tpu.memory_space<vmem>>
        %parallel_loop3A_399 = arith.index_cast %parallel_loop3A_394 : i32 to index
        %parallel_loop3A_400 = arith.constant 32 : index
        %parallel_loop3A_401 = tpu.vector_load %parallel_loop3A_398[%parallel_loop3A_399, %parallel_loop3A_400] {strides = array<i32>} : memref<400x64xf32, #tpu.memory_space<vmem>>, vector<1x16xf32>,
        %parallel_loop3A_402 = vector.shape_cast %parallel_loop3A_401 : vector<1x16xf32> to vector<16xf32>
        %parallel_loop3A_403 = arith.constant 8.000000e+00 : f32
        %parallel_loop3A_404 = vector.broadcast %parallel_loop3A_403 : f32 to vector<16xf32>
        %parallel_loop3A_405 = arith.mulf %parallel_loop3A_402, %parallel_loop3A_404 : vector<16xf32>
        %parallel_loop3A_406 = arith.constant 1 : i32
        %parallel_loop3A_407 = arith.addi %parallel_loop3A_248, %parallel_loop3A_406 : i32
        %parallel_loop3A_408 = arith.constant 0 : i32
        %parallel_loop3A_409 = arith.constant 0 : i32
        %parallel_loop3A_410 = tpu.memref_slice %arg6[%parallel_loop3A_128, %parallel_loop3A_408, %parallel_loop3A_409] : memref<2x400x64xf32, #tpu.memory_space<vmem>> -> memref<1x400x64xf32, #tpu.memory_space<vmem>>
        %parallel_loop3A_411 = tpu.memref_squeeze %parallel_loop3A_410 : memref<1x400x64xf32, #tpu.memory_space<vmem>> -> memref<400x64xf32, #tpu.memory_space<vmem>>
        %parallel_loop3A_412 = arith.index_cast %parallel_loop3A_407 : i32 to index
        %parallel_loop3A_413 = arith.constant 32 : index
        %parallel_loop3A_414 = tpu.vector_load %parallel_loop3A_411[%parallel_loop3A_412, %parallel_loop3A_413] {strides = array<i32>} : memref<400x64xf32, #tpu.memory_space<vmem>>, vector<1x16xf32>,
        %parallel_loop3A_415 = vector.shape_cast %parallel_loop3A_414 : vector<1x16xf32> to vector<16xf32>
        %parallel_loop3A_416 = vector.shape_cast %parallel_loop3A_405 : vector<16xf32> to vector<1x16xf32>
        tpu.vector_store %parallel_loop3A_411[%parallel_loop3A_412, %parallel_loop3A_413], %parallel_loop3A_416 {strides = array<i32>} : memref<400x64xf32, #tpu.memory_space<vmem>>, vector<1x16xf32>,
        %parallel_loop3A_417 = arith.constant 1 : i32
        %parallel_loop3A_418 = arith.addi %parallel_loop3A_248, %parallel_loop3A_417 : i32
        %parallel_loop3A_419 = arith.constant 0 : i32
        %parallel_loop3A_420 = arith.constant 0 : i32
        %parallel_loop3A_421 = tpu.memref_slice %arg6[%parallel_loop3A_128, %parallel_loop3A_419, %parallel_loop3A_420] : memref<2x400x64xf32, #tpu.memory_space<vmem>> -> memref<1x400x64xf32, #tpu.memory_space<vmem>>
        %parallel_loop3A_422 = tpu.memref_squeeze %parallel_loop3A_421 : memref<1x400x64xf32, #tpu.memory_space<vmem>> -> memref<400x64xf32, #tpu.memory_space<vmem>>
        %parallel_loop3A_423 = arith.index_cast %parallel_loop3A_418 : i32 to index
        %parallel_loop3A_424 = arith.constant 48 : index
        %parallel_loop3A_425 = tpu.vector_load %parallel_loop3A_422[%parallel_loop3A_423, %parallel_loop3A_424] {strides = array<i32>} : memref<400x64xf32, #tpu.memory_space<vmem>>, vector<1x16xf32>,
        %parallel_loop3A_426 = vector.shape_cast %parallel_loop3A_425 : vector<1x16xf32> to vector<16xf32>
        %parallel_loop3A_427 = arith.constant 8.000000e+00 : f32
        %parallel_loop3A_428 = vector.broadcast %parallel_loop3A_427 : f32 to vector<16xf32>
        %parallel_loop3A_429 = arith.mulf %parallel_loop3A_426, %parallel_loop3A_428 : vector<16xf32>
        %parallel_loop3A_430 = arith.constant 1 : i32
        %parallel_loop3A_431 = arith.addi %parallel_loop3A_248, %parallel_loop3A_430 : i32
        %parallel_loop3A_432 = arith.constant 0 : i32
        %parallel_loop3A_433 = arith.constant 0 : i32
        %parallel_loop3A_434 = tpu.memref_slice %arg6[%parallel_loop3A_128, %parallel_loop3A_432, %parallel_loop3A_433] : memref<2x400x64xf32, #tpu.memory_space<vmem>> -> memref<1x400x64xf32, #tpu.memory_space<vmem>>
        %parallel_loop3A_435 = tpu.memref_squeeze %parallel_loop3A_434 : memref<1x400x64xf32, #tpu.memory_space<vmem>> -> memref<400x64xf32, #tpu.memory_space<vmem>>
        %parallel_loop3A_436 = arith.index_cast %parallel_loop3A_431 : i32 to index
        %parallel_loop3A_437 = arith.constant 48 : index
        %parallel_loop3A_438 = tpu.vector_load %parallel_loop3A_435[%parallel_loop3A_436, %parallel_loop3A_437] {strides = array<i32>} : memref<400x64xf32, #tpu.memory_space<vmem>>, vector<1x16xf32>,
        %parallel_loop3A_439 = vector.shape_cast %parallel_loop3A_438 : vector<1x16xf32> to vector<16xf32>
        %parallel_loop3A_440 = vector.shape_cast %parallel_loop3A_429 : vector<16xf32> to vector<1x16xf32>
        tpu.vector_store %parallel_loop3A_435[%parallel_loop3A_436, %parallel_loop3A_437], %parallel_loop3A_440 {strides = array<i32>} : memref<400x64xf32, #tpu.memory_space<vmem>>, vector<1x16xf32>,
        %parallel_loop3A_441 = arith.constant 2 : i32
        %parallel_loop3A_442 = arith.addi %parallel_loop3A_248, %parallel_loop3A_441 : i32
        %parallel_loop3A_443 = arith.constant 0 : i32
        %parallel_loop3A_444 = arith.constant 0 : i32
        %parallel_loop3A_445 = tpu.memref_slice %arg6[%parallel_loop3A_128, %parallel_loop3A_443, %parallel_loop3A_444] : memref<2x400x64xf32, #tpu.memory_space<vmem>> -> memref<1x400x64xf32, #tpu.memory_space<vmem>>
        %parallel_loop3A_446 = tpu.memref_squeeze %parallel_loop3A_445 : memref<1x400x64xf32, #tpu.memory_space<vmem>> -> memref<400x64xf32, #tpu.memory_space<vmem>>
        %parallel_loop3A_447 = arith.index_cast %parallel_loop3A_442 : i32 to index
        %parallel_loop3A_448 = arith.constant 0 : index
        %parallel_loop3A_449 = tpu.vector_load %parallel_loop3A_446[%parallel_loop3A_447, %parallel_loop3A_448] {strides = array<i32>} : memref<400x64xf32, #tpu.memory_space<vmem>>, vector<1x16xf32>,
        %parallel_loop3A_450 = vector.shape_cast %parallel_loop3A_449 : vector<1x16xf32> to vector<16xf32>
        %parallel_loop3A_451 = arith.constant 8.000000e+00 : f32
        %parallel_loop3A_452 = vector.broadcast %parallel_loop3A_451 : f32 to vector<16xf32>
        %parallel_loop3A_453 = arith.mulf %parallel_loop3A_450, %parallel_loop3A_452 : vector<16xf32>
        %parallel_loop3A_454 = arith.constant 2 : i32
        %parallel_loop3A_455 = arith.addi %parallel_loop3A_248, %parallel_loop3A_454 : i32
        %parallel_loop3A_456 = arith.constant 0 : i32
        %parallel_loop3A_457 = arith.constant 0 : i32
        %parallel_loop3A_458 = tpu.memref_slice %arg6[%parallel_loop3A_128, %parallel_loop3A_456, %parallel_loop3A_457] : memref<2x400x64xf32, #tpu.memory_space<vmem>> -> memref<1x400x64xf32, #tpu.memory_space<vmem>>
        %parallel_loop3A_459 = tpu.memref_squeeze %parallel_loop3A_458 : memref<1x400x64xf32, #tpu.memory_space<vmem>> -> memref<400x64xf32, #tpu.memory_space<vmem>>
        %parallel_loop3A_460 = arith.index_cast %parallel_loop3A_455 : i32 to index
        %parallel_loop3A_461 = arith.constant 0 : index
        %parallel_loop3A_462 = tpu.vector_load %parallel_loop3A_459[%parallel_loop3A_460, %parallel_loop3A_461] {strides = array<i32>} : memref<400x64xf32, #tpu.memory_space<vmem>>, vector<1x16xf32>,
        %parallel_loop3A_463 = vector.shape_cast %parallel_loop3A_462 : vector<1x16xf32> to vector<16xf32>
        %parallel_loop3A_464 = vector.shape_cast %parallel_loop3A_453 : vector<16xf32> to vector<1x16xf32>
        tpu.vector_store %parallel_loop3A_459[%parallel_loop3A_460, %parallel_loop3A_461], %parallel_loop3A_464 {strides = array<i32>} : memref<400x64xf32, #tpu.memory_space<vmem>>, vector<1x16xf32>,
        %parallel_loop3A_465 = arith.constant 2 : i32
        %parallel_loop3A_466 = arith.addi %parallel_loop3A_248, %parallel_loop3A_465 : i32
        %parallel_loop3A_467 = arith.constant 0 : i32
        %parallel_loop3A_468 = arith.constant 0 : i32
        %parallel_loop3A_469 = tpu.memref_slice %arg6[%parallel_loop3A_128, %parallel_loop3A_467, %parallel_loop3A_468] : memref<2x400x64xf32, #tpu.memory_space<vmem>> -> memref<1x400x64xf32, #tpu.memory_space<vmem>>
        %parallel_loop3A_470 = tpu.memref_squeeze %parallel_loop3A_469 : memref<1x400x64xf32, #tpu.memory_space<vmem>> -> memref<400x64xf32, #tpu.memory_space<vmem>>
        %parallel_loop3A_471 = arith.index_cast %parallel_loop3A_466 : i32 to index
        %parallel_loop3A_472 = arith.constant 16 : index
        %parallel_loop3A_473 = tpu.vector_load %parallel_loop3A_470[%parallel_loop3A_471, %parallel_loop3A_472] {strides = array<i32>} : memref<400x64xf32, #tpu.memory_space<vmem>>, vector<1x16xf32>,
        %parallel_loop3A_474 = vector.shape_cast %parallel_loop3A_473 : vector<1x16xf32> to vector<16xf32>
        %parallel_loop3A_475 = arith.constant 8.000000e+00 : f32
        %parallel_loop3A_476 = vector.broadcast %parallel_loop3A_475 : f32 to vector<16xf32>
        %parallel_loop3A_477 = arith.mulf %parallel_loop3A_474, %parallel_loop3A_476 : vector<16xf32>
        %parallel_loop3A_478 = arith.constant 2 : i32
        %parallel_loop3A_479 = arith.addi %parallel_loop3A_248, %parallel_loop3A_478 : i32
        %parallel_loop3A_480 = arith.constant 0 : i32
        %parallel_loop3A_481 = arith.constant 0 : i32
        %parallel_loop3A_482 = tpu.memref_slice %arg6[%parallel_loop3A_128, %parallel_loop3A_480, %parallel_loop3A_481] : memref<2x400x64xf32, #tpu.memory_space<vmem>> -> memref<1x400x64xf32, #tpu.memory_space<vmem>>
        %parallel_loop3A_483 = tpu.memref_squeeze %parallel_loop3A_482 : memref<1x400x64xf32, #tpu.memory_space<vmem>> -> memref<400x64xf32, #tpu.memory_space<vmem>>
        %parallel_loop3A_484 = arith.index_cast %parallel_loop3A_479 : i32 to index
        %parallel_loop3A_485 = arith.constant 16 : index
        %parallel_loop3A_486 = tpu.vector_load %parallel_loop3A_483[%parallel_loop3A_484, %parallel_loop3A_485] {strides = array<i32>} : memref<400x64xf32, #tpu.memory_space<vmem>>, vector<1x16xf32>,
        %parallel_loop3A_487 = vector.shape_cast %parallel_loop3A_486 : vector<1x16xf32> to vector<16xf32>
        %parallel_loop3A_488 = vector.shape_cast %parallel_loop3A_477 : vector<16xf32> to vector<1x16xf32>
        tpu.vector_store %parallel_loop3A_483[%parallel_loop3A_484, %parallel_loop3A_485], %parallel_loop3A_488 {strides = array<i32>} : memref<400x64xf32, #tpu.memory_space<vmem>>, vector<1x16xf32>,
        %parallel_loop3A_489 = arith.constant 2 : i32
        %parallel_loop3A_490 = arith.addi %parallel_loop3A_248, %parallel_loop3A_489 : i32
        %parallel_loop3A_491 = arith.constant 0 : i32
        %parallel_loop3A_492 = arith.constant 0 : i32
        %parallel_loop3A_493 = tpu.memref_slice %arg6[%parallel_loop3A_128, %parallel_loop3A_491, %parallel_loop3A_492] : memref<2x400x64xf32, #tpu.memory_space<vmem>> -> memref<1x400x64xf32, #tpu.memory_space<vmem>>
        %parallel_loop3A_494 = tpu.memref_squeeze %parallel_loop3A_493 : memref<1x400x64xf32, #tpu.memory_space<vmem>> -> memref<400x64xf32, #tpu.memory_space<vmem>>
        %parallel_loop3A_495 = arith.index_cast %parallel_loop3A_490 : i32 to index
        %parallel_loop3A_496 = arith.constant 32 : index
        %parallel_loop3A_497 = tpu.vector_load %parallel_loop3A_494[%parallel_loop3A_495, %parallel_loop3A_496] {strides = array<i32>} : memref<400x64xf32, #tpu.memory_space<vmem>>, vector<1x16xf32>,
        %parallel_loop3A_498 = vector.shape_cast %parallel_loop3A_497 : vector<1x16xf32> to vector<16xf32>
        %parallel_loop3A_499 = arith.constant 8.000000e+00 : f32
        %parallel_loop3A_500 = vector.broadcast %parallel_loop3A_499 : f32 to vector<16xf32>
        %parallel_loop3A_501 = arith.mulf %parallel_loop3A_498, %parallel_loop3A_500 : vector<16xf32>
        %parallel_loop3A_502 = arith.constant 2 : i32
        %parallel_loop3A_503 = arith.addi %parallel_loop3A_248, %parallel_loop3A_502 : i32
        %parallel_loop3A_504 = arith.constant 0 : i32
        %parallel_loop3A_505 = arith.constant 0 : i32
        %parallel_loop3A_506 = tpu.memref_slice %arg6[%parallel_loop3A_128, %parallel_loop3A_504, %parallel_loop3A_505] : memref<2x400x64xf32, #tpu.memory_space<vmem>> -> memref<1x400x64xf32, #tpu.memory_space<vmem>>
        %parallel_loop3A_507 = tpu.memref_squeeze %parallel_loop3A_506 : memref<1x400x64xf32, #tpu.memory_space<vmem>> -> memref<400x64xf32, #tpu.memory_space<vmem>>
        %parallel_loop3A_508 = arith.index_cast %parallel_loop3A_503 : i32 to index
        %parallel_loop3A_509 = arith.constant 32 : index
        %parallel_loop3A_510 = tpu.vector_load %parallel_loop3A_507[%parallel_loop3A_508, %parallel_loop3A_509] {strides = array<i32>} : memref<400x64xf32, #tpu.memory_space<vmem>>, vector<1x16xf32>,
        %parallel_loop3A_511 = vector.shape_cast %parallel_loop3A_510 : vector<1x16xf32> to vector<16xf32>
        %parallel_loop3A_512 = vector.shape_cast %parallel_loop3A_501 : vector<16xf32> to vector<1x16xf32>
        tpu.vector_store %parallel_loop3A_507[%parallel_loop3A_508, %parallel_loop3A_509], %parallel_loop3A_512 {strides = array<i32>} : memref<400x64xf32, #tpu.memory_space<vmem>>, vector<1x16xf32>,
        %parallel_loop3A_513 = arith.constant 2 : i32
        %parallel_loop3A_514 = arith.addi %parallel_loop3A_248, %parallel_loop3A_513 : i32
        %parallel_loop3A_515 = arith.constant 0 : i32
        %parallel_loop3A_516 = arith.constant 0 : i32
        %parallel_loop3A_517 = tpu.memref_slice %arg6[%parallel_loop3A_128, %parallel_loop3A_515, %parallel_loop3A_516] : memref<2x400x64xf32, #tpu.memory_space<vmem>> -> memref<1x400x64xf32, #tpu.memory_space<vmem>>
        %parallel_loop3A_518 = tpu.memref_squeeze %parallel_loop3A_517 : memref<1x400x64xf32, #tpu.memory_space<vmem>> -> memref<400x64xf32, #tpu.memory_space<vmem>>
        %parallel_loop3A_519 = arith.index_cast %parallel_loop3A_514 : i32 to index
        %parallel_loop3A_520 = arith.constant 48 : index
        %parallel_loop3A_521 = tpu.vector_load %parallel_loop3A_518[%parallel_loop3A_519, %parallel_loop3A_520] {strides = array<i32>} : memref<400x64xf32, #tpu.memory_space<vmem>>, vector<1x16xf32>,
        %parallel_loop3A_522 = vector.shape_cast %parallel_loop3A_521 : vector<1x16xf32> to vector<16xf32>
        %parallel_loop3A_523 = arith.constant 8.000000e+00 : f32
        %parallel_loop3A_524 = vector.broadcast %parallel_loop3A_523 : f32 to vector<16xf32>
        %parallel_loop3A_525 = arith.mulf %parallel_loop3A_522, %parallel_loop3A_524 : vector<16xf32>
        %parallel_loop3A_526 = arith.constant 2 : i32
        %parallel_loop3A_527 = arith.addi %parallel_loop3A_248, %parallel_loop3A_526 : i32
        %parallel_loop3A_528 = arith.constant 0 : i32
        %parallel_loop3A_529 = arith.constant 0 : i32
        %parallel_loop3A_530 = tpu.memref_slice %arg6[%parallel_loop3A_128, %parallel_loop3A_528, %parallel_loop3A_529] : memref<2x400x64xf32, #tpu.memory_space<vmem>> -> memref<1x400x64xf32, #tpu.memory_space<vmem>>
        %parallel_loop3A_531 = tpu.memref_squeeze %parallel_loop3A_530 : memref<1x400x64xf32, #tpu.memory_space<vmem>> -> memref<400x64xf32, #tpu.memory_space<vmem>>
        %parallel_loop3A_532 = arith.index_cast %parallel_loop3A_527 : i32 to index
        %parallel_loop3A_533 = arith.constant 48 : index
        %parallel_loop3A_534 = tpu.vector_load %parallel_loop3A_531[%parallel_loop3A_532, %parallel_loop3A_533] {strides = array<i32>} : memref<400x64xf32, #tpu.memory_space<vmem>>, vector<1x16xf32>,
        %parallel_loop3A_535 = vector.shape_cast %parallel_loop3A_534 : vector<1x16xf32> to vector<16xf32>
        %parallel_loop3A_536 = vector.shape_cast %parallel_loop3A_525 : vector<16xf32> to vector<1x16xf32>
        tpu.vector_store %parallel_loop3A_531[%parallel_loop3A_532, %parallel_loop3A_533], %parallel_loop3A_536 {strides = array<i32>} : memref<400x64xf32, #tpu.memory_space<vmem>>, vector<1x16xf32>,
        %parallel_loop3A_537 = arith.constant 3 : i32
        %parallel_loop3A_538 = arith.addi %parallel_loop3A_248, %parallel_loop3A_537 : i32
        %parallel_loop3A_539 = arith.constant 0 : i32
        %parallel_loop3A_540 = arith.constant 0 : i32
        %parallel_loop3A_541 = tpu.memref_slice %arg6[%parallel_loop3A_128, %parallel_loop3A_539, %parallel_loop3A_540] : memref<2x400x64xf32, #tpu.memory_space<vmem>> -> memref<1x400x64xf32, #tpu.memory_space<vmem>>
        %parallel_loop3A_542 = tpu.memref_squeeze %parallel_loop3A_541 : memref<1x400x64xf32, #tpu.memory_space<vmem>> -> memref<400x64xf32, #tpu.memory_space<vmem>>
        %parallel_loop3A_543 = arith.index_cast %parallel_loop3A_538 : i32 to index
        %parallel_loop3A_544 = arith.constant 0 : index
        %parallel_loop3A_545 = tpu.vector_load %parallel_loop3A_542[%parallel_loop3A_543, %parallel_loop3A_544] {strides = array<i32>} : memref<400x64xf32, #tpu.memory_space<vmem>>, vector<1x16xf32>,
        %parallel_loop3A_546 = vector.shape_cast %parallel_loop3A_545 : vector<1x16xf32> to vector<16xf32>
        %parallel_loop3A_547 = arith.constant 8.000000e+00 : f32
        %parallel_loop3A_548 = vector.broadcast %parallel_loop3A_547 : f32 to vector<16xf32>
        %parallel_loop3A_549 = arith.mulf %parallel_loop3A_546, %parallel_loop3A_548 : vector<16xf32>
        %parallel_loop3A_550 = arith.constant 3 : i32
        %parallel_loop3A_551 = arith.addi %parallel_loop3A_248, %parallel_loop3A_550 : i32
        %parallel_loop3A_552 = arith.constant 0 : i32
        %parallel_loop3A_553 = arith.constant 0 : i32
        %parallel_loop3A_554 = tpu.memref_slice %arg6[%parallel_loop3A_128, %parallel_loop3A_552, %parallel_loop3A_553] : memref<2x400x64xf32, #tpu.memory_space<vmem>> -> memref<1x400x64xf32, #tpu.memory_space<vmem>>
        %parallel_loop3A_555 = tpu.memref_squeeze %parallel_loop3A_554 : memref<1x400x64xf32, #tpu.memory_space<vmem>> -> memref<400x64xf32, #tpu.memory_space<vmem>>
        %parallel_loop3A_556 = arith.index_cast %parallel_loop3A_551 : i32 to index
        %parallel_loop3A_557 = arith.constant 0 : index
        %parallel_loop3A_558 = tpu.vector_load %parallel_loop3A_555[%parallel_loop3A_556, %parallel_loop3A_557] {strides = array<i32>} : memref<400x64xf32, #tpu.memory_space<vmem>>, vector<1x16xf32>,
        %parallel_loop3A_559 = vector.shape_cast %parallel_loop3A_558 : vector<1x16xf32> to vector<16xf32>
        %parallel_loop3A_560 = vector.shape_cast %parallel_loop3A_549 : vector<16xf32> to vector<1x16xf32>
        tpu.vector_store %parallel_loop3A_555[%parallel_loop3A_556, %parallel_loop3A_557], %parallel_loop3A_560 {strides = array<i32>} : memref<400x64xf32, #tpu.memory_space<vmem>>, vector<1x16xf32>,
        %parallel_loop3A_561 = arith.constant 3 : i32
        %parallel_loop3A_562 = arith.addi %parallel_loop3A_248, %parallel_loop3A_561 : i32
        %parallel_loop3A_563 = arith.constant 0 : i32
        %parallel_loop3A_564 = arith.constant 0 : i32
        %parallel_loop3A_565 = tpu.memref_slice %arg6[%parallel_loop3A_128, %parallel_loop3A_563, %parallel_loop3A_564] : memref<2x400x64xf32, #tpu.memory_space<vmem>> -> memref<1x400x64xf32, #tpu.memory_space<vmem>>
        %parallel_loop3A_566 = tpu.memref_squeeze %parallel_loop3A_565 : memref<1x400x64xf32, #tpu.memory_space<vmem>> -> memref<400x64xf32, #tpu.memory_space<vmem>>
        %parallel_loop3A_567 = arith.index_cast %parallel_loop3A_562 : i32 to index
        %parallel_loop3A_568 = arith.constant 16 : index
        %parallel_loop3A_569 = tpu.vector_load %parallel_loop3A_566[%parallel_loop3A_567, %parallel_loop3A_568] {strides = array<i32>} : memref<400x64xf32, #tpu.memory_space<vmem>>, vector<1x16xf32>,
        %parallel_loop3A_570 = vector.shape_cast %parallel_loop3A_569 : vector<1x16xf32> to vector<16xf32>
        %parallel_loop3A_571 = arith.constant 8.000000e+00 : f32
        %parallel_loop3A_572 = vector.broadcast %parallel_loop3A_571 : f32 to vector<16xf32>
        %parallel_loop3A_573 = arith.mulf %parallel_loop3A_570, %parallel_loop3A_572 : vector<16xf32>
        %parallel_loop3A_574 = arith.constant 3 : i32
        %parallel_loop3A_575 = arith.addi %parallel_loop3A_248, %parallel_loop3A_574 : i32
        %parallel_loop3A_576 = arith.constant 0 : i32
        %parallel_loop3A_577 = arith.constant 0 : i32
        %parallel_loop3A_578 = tpu.memref_slice %arg6[%parallel_loop3A_128, %parallel_loop3A_576, %parallel_loop3A_577] : memref<2x400x64xf32, #tpu.memory_space<vmem>> -> memref<1x400x64xf32, #tpu.memory_space<vmem>>
        %parallel_loop3A_579 = tpu.memref_squeeze %parallel_loop3A_578 : memref<1x400x64xf32, #tpu.memory_space<vmem>> -> memref<400x64xf32, #tpu.memory_space<vmem>>
        %parallel_loop3A_580 = arith.index_cast %parallel_loop3A_575 : i32 to index
        %parallel_loop3A_581 = arith.constant 16 : index
        %parallel_loop3A_582 = tpu.vector_load %parallel_loop3A_579[%parallel_loop3A_580, %parallel_loop3A_581] {strides = array<i32>} : memref<400x64xf32, #tpu.memory_space<vmem>>, vector<1x16xf32>,
        %parallel_loop3A_583 = vector.shape_cast %parallel_loop3A_582 : vector<1x16xf32> to vector<16xf32>
        %parallel_loop3A_584 = vector.shape_cast %parallel_loop3A_573 : vector<16xf32> to vector<1x16xf32>
        tpu.vector_store %parallel_loop3A_579[%parallel_loop3A_580, %parallel_loop3A_581], %parallel_loop3A_584 {strides = array<i32>} : memref<400x64xf32, #tpu.memory_space<vmem>>, vector<1x16xf32>,
        %parallel_loop3A_585 = arith.constant 3 : i32
        %parallel_loop3A_586 = arith.addi %parallel_loop3A_248, %parallel_loop3A_585 : i32
        %parallel_loop3A_587 = arith.constant 0 : i32
        %parallel_loop3A_588 = arith.constant 0 : i32
        %parallel_loop3A_589 = tpu.memref_slice %arg6[%parallel_loop3A_128, %parallel_loop3A_587, %parallel_loop3A_588] : memref<2x400x64xf32, #tpu.memory_space<vmem>> -> memref<1x400x64xf32, #tpu.memory_space<vmem>>
        %parallel_loop3A_590 = tpu.memref_squeeze %parallel_loop3A_589 : memref<1x400x64xf32, #tpu.memory_space<vmem>> -> memref<400x64xf32, #tpu.memory_space<vmem>>
        %parallel_loop3A_591 = arith.index_cast %parallel_loop3A_586 : i32 to index
        %parallel_loop3A_592 = arith.constant 32 : index
        %parallel_loop3A_593 = tpu.vector_load %parallel_loop3A_590[%parallel_loop3A_591, %parallel_loop3A_592] {strides = array<i32>} : memref<400x64xf32, #tpu.memory_space<vmem>>, vector<1x16xf32>,
        %parallel_loop3A_594 = vector.shape_cast %parallel_loop3A_593 : vector<1x16xf32> to vector<16xf32>
        %parallel_loop3A_595 = arith.constant 8.000000e+00 : f32
        %parallel_loop3A_596 = vector.broadcast %parallel_loop3A_595 : f32 to vector<16xf32>
        %parallel_loop3A_597 = arith.mulf %parallel_loop3A_594, %parallel_loop3A_596 : vector<16xf32>
        %parallel_loop3A_598 = arith.constant 3 : i32
        %parallel_loop3A_599 = arith.addi %parallel_loop3A_248, %parallel_loop3A_598 : i32
        %parallel_loop3A_600 = arith.constant 0 : i32
        %parallel_loop3A_601 = arith.constant 0 : i32
        %parallel_loop3A_602 = tpu.memref_slice %arg6[%parallel_loop3A_128, %parallel_loop3A_600, %parallel_loop3A_601] : memref<2x400x64xf32, #tpu.memory_space<vmem>> -> memref<1x400x64xf32, #tpu.memory_space<vmem>>
        %parallel_loop3A_603 = tpu.memref_squeeze %parallel_loop3A_602 : memref<1x400x64xf32, #tpu.memory_space<vmem>> -> memref<400x64xf32, #tpu.memory_space<vmem>>
        %parallel_loop3A_604 = arith.index_cast %parallel_loop3A_599 : i32 to index
        %parallel_loop3A_605 = arith.constant 32 : index
        %parallel_loop3A_606 = tpu.vector_load %parallel_loop3A_603[%parallel_loop3A_604, %parallel_loop3A_605] {strides = array<i32>} : memref<400x64xf32, #tpu.memory_space<vmem>>, vector<1x16xf32>,
        %parallel_loop3A_607 = vector.shape_cast %parallel_loop3A_606 : vector<1x16xf32> to vector<16xf32>
        %parallel_loop3A_608 = vector.shape_cast %parallel_loop3A_597 : vector<16xf32> to vector<1x16xf32>
        tpu.vector_store %parallel_loop3A_603[%parallel_loop3A_604, %parallel_loop3A_605], %parallel_loop3A_608 {strides = array<i32>} : memref<400x64xf32, #tpu.memory_space<vmem>>, vector<1x16xf32>,
        %parallel_loop3A_609 = arith.constant 3 : i32
        %parallel_loop3A_610 = arith.addi %parallel_loop3A_248, %parallel_loop3A_609 : i32
        %parallel_loop3A_611 = arith.constant 0 : i32
        %parallel_loop3A_612 = arith.constant 0 : i32
        %parallel_loop3A_613 = tpu.memref_slice %arg6[%parallel_loop3A_128, %parallel_loop3A_611, %parallel_loop3A_612] : memref<2x400x64xf32, #tpu.memory_space<vmem>> -> memref<1x400x64xf32, #tpu.memory_space<vmem>>
        %parallel_loop3A_614 = tpu.memref_squeeze %parallel_loop3A_613 : memref<1x400x64xf32, #tpu.memory_space<vmem>> -> memref<400x64xf32, #tpu.memory_space<vmem>>
        %parallel_loop3A_615 = arith.index_cast %parallel_loop3A_610 : i32 to index
        %parallel_loop3A_616 = arith.constant 48 : index
        %parallel_loop3A_617 = tpu.vector_load %parallel_loop3A_614[%parallel_loop3A_615, %parallel_loop3A_616] {strides = array<i32>} : memref<400x64xf32, #tpu.memory_space<vmem>>, vector<1x16xf32>,
        %parallel_loop3A_618 = vector.shape_cast %parallel_loop3A_617 : vector<1x16xf32> to vector<16xf32>
        %parallel_loop3A_619 = arith.constant 8.000000e+00 : f32
        %parallel_loop3A_620 = vector.broadcast %parallel_loop3A_619 : f32 to vector<16xf32>
        %parallel_loop3A_621 = arith.mulf %parallel_loop3A_618, %parallel_loop3A_620 : vector<16xf32>
        %parallel_loop3A_622 = arith.constant 3 : i32
        %parallel_loop3A_623 = arith.addi %parallel_loop3A_248, %parallel_loop3A_622 : i32
        %parallel_loop3A_624 = arith.constant 0 : i32
        %parallel_loop3A_625 = arith.constant 0 : i32
        %parallel_loop3A_626 = tpu.memref_slice %arg6[%parallel_loop3A_128, %parallel_loop3A_624, %parallel_loop3A_625] : memref<2x400x64xf32, #tpu.memory_space<vmem>> -> memref<1x400x64xf32, #tpu.memory_space<vmem>>
        %parallel_loop3A_627 = tpu.memref_squeeze %parallel_loop3A_626 : memref<1x400x64xf32, #tpu.memory_space<vmem>> -> memref<400x64xf32, #tpu.memory_space<vmem>>
        %parallel_loop3A_628 = arith.index_cast %parallel_loop3A_623 : i32 to index
        %parallel_loop3A_629 = arith.constant 48 : index
        %parallel_loop3A_630 = tpu.vector_load %parallel_loop3A_627[%parallel_loop3A_628, %parallel_loop3A_629] {strides = array<i32>} : memref<400x64xf32, #tpu.memory_space<vmem>>, vector<1x16xf32>,
        %parallel_loop3A_631 = vector.shape_cast %parallel_loop3A_630 : vector<1x16xf32> to vector<16xf32>
        %parallel_loop3A_632 = vector.shape_cast %parallel_loop3A_621 : vector<16xf32> to vector<1x16xf32>
        tpu.vector_store %parallel_loop3A_627[%parallel_loop3A_628, %parallel_loop3A_629], %parallel_loop3A_632 {strides = array<i32>} : memref<400x64xf32, #tpu.memory_space<vmem>>, vector<1x16xf32>,
      } {sc.loop_unroll_factor = 2 : i64, sc.parallel_access}
      %mul3A_129 = arith.constant 2 : i32
      %mul3A_130 = arith.muli %add3A_102, %mul3A_129 : i32
      %add3A_131 = arith.addi %mul3A_4, %mul3A_130 : i32
      %add3A_132 = arith.constant 0 : i32
      %add3A_133 = arith.addi %add3A_131, %add3A_132 : i32
      %dma_start3A_134 = arith.constant 0 : i32
      %dma_start3A_135 = arith.constant 0 : i32
      %dma_start3A_136 = arith.constant 0 : i32
      %dma_start3A_137 = tpu.memref_slice %arg6[%dma_start3A_134, %dma_start3A_135, %dma_start3A_136] : memref<2x400x64xf32, #tpu.memory_space<vmem>> -> memref<1x200x64xf32, #tpu.memory_space<vmem>>
      %dma_start3A_138 = tpu.memref_squeeze %dma_start3A_137 : memref<1x200x64xf32, #tpu.memory_space<vmem>> -> memref<200x64xf32, #tpu.memory_space<vmem>>
      %dma_start3A_139 = arith.constant 0 : i32
      %dma_start3A_140 = arith.constant 0 : i32
      %dma_start3A_141 = tpu.memref_slice %arg4[%add3A_133, %dma_start3A_139, %dma_start3A_140] : memref<4096x200x64xf32, #tpu.memory_space<hbm>> -> memref<1x200x64xf32, #tpu.memory_space<hbm>>
      %dma_start3A_142 = tpu.memref_squeeze %dma_start3A_141 : memref<1x200x64xf32, #tpu.memory_space<hbm>> -> memref<200x64xf32, #tpu.memory_space<hbm>>
      %dma_start3A_143 = arith.constant 0 : i32
      %dma_start3A_144 = arith.constant 0 : i32
      %dma_start3A_145 = tpu.memref_slice %arg4[%add3A_133, %dma_start3A_143, %dma_start3A_144] : memref<4096x200x64xf32, #tpu.memory_space<hbm>> -> memref<1x200x64xf32, #tpu.memory_space<hbm>>
      %dma_start3A_146 = tpu.memref_squeeze %dma_start3A_145 : memref<1x200x64xf32, #tpu.memory_space<hbm>> -> memref<200x64xf32, #tpu.memory_space<hbm>>
      %dma_start3A_147 = arith.constant 0 : i32
      %dma_start3A_148 = arith.constant 0 : i32
      %dma_start3A_149 = tpu.memref_slice %arg6[%dma_start3A_134, %dma_start3A_147, %dma_start3A_148] : memref<2x400x64xf32, #tpu.memory_space<vmem>> -> memref<1x200x64xf32, #tpu.memory_space<vmem>>
      %dma_start3A_150 = tpu.memref_squeeze %dma_start3A_149 : memref<1x200x64xf32, #tpu.memory_space<vmem>> -> memref<200x64xf32, #tpu.memory_space<vmem>>
      tpu.enqueue_dma source(%dma_start3A_150 : memref<200x64xf32, #tpu.memory_space<vmem>>) target(%dma_start3A_146 : memref<200x64xf32, #tpu.memory_space<hbm>>) target_semaphore(%arg9 : memref<!tpu.dma_semaphore, #tpu.memory_space<semaphore_mem>>)
      %add3A_151 = arith.constant 1 : i32
      %add3A_152 = arith.addi %add3A_131, %add3A_151 : i32
      %dma_start3A_153 = arith.constant 0 : i32
      %dma_start3A_154 = arith.constant 200 : i32
      %dma_start3A_155 = arith.constant 0 : i32
      %dma_start3A_156 = tpu.memref_slice %arg6[%dma_start3A_153, %dma_start3A_154, %dma_start3A_155] : memref<2x400x64xf32, #tpu.memory_space<vmem>> -> memref<1x200x64xf32, #tpu.memory_space<vmem>>
      %dma_start3A_157 = tpu.memref_squeeze %dma_start3A_156 : memref<1x200x64xf32, #tpu.memory_space<vmem>> -> memref<200x64xf32, #tpu.memory_space<vmem>>
      %dma_start3A_158 = arith.constant 0 : i32
      %dma_start3A_159 = arith.constant 0 : i32
      %dma_start3A_160 = tpu.memref_slice %arg4[%add3A_152, %dma_start3A_158, %dma_start3A_159] : memref<4096x200x64xf32, #tpu.memory_space<hbm>> -> memref<1x200x64xf32, #tpu.memory_space<hbm>>
      %dma_start3A_161 = tpu.memref_squeeze %dma_start3A_160 : memref<1x200x64xf32, #tpu.memory_space<hbm>> -> memref<200x64xf32, #tpu.memory_space<hbm>>
      %dma_start3A_162 = arith.constant 0 : i32
      %dma_start3A_163 = arith.constant 0 : i32
      %dma_start3A_164 = tpu.memref_slice %arg4[%add3A_152, %dma_start3A_162, %dma_start3A_163] : memref<4096x200x64xf32, #tpu.memory_space<hbm>> -> memref<1x200x64xf32, #tpu.memory_space<hbm>>
      %dma_start3A_165 = tpu.memref_squeeze %dma_start3A_164 : memref<1x200x64xf32, #tpu.memory_space<hbm>> -> memref<200x64xf32, #tpu.memory_space<hbm>>
      %dma_start3A_166 = arith.constant 200 : i32
      %dma_start3A_167 = arith.constant 0 : i32
      %dma_start3A_168 = tpu.memref_slice %arg6[%dma_start3A_153, %dma_start3A_166, %dma_start3A_167] : memref<2x400x64xf32, #tpu.memory_space<vmem>> -> memref<1x200x64xf32, #tpu.memory_space<vmem>>
      %dma_start3A_169 = tpu.memref_squeeze %dma_start3A_168 : memref<1x200x64xf32, #tpu.memory_space<vmem>> -> memref<200x64xf32, #tpu.memory_space<vmem>>
      tpu.enqueue_dma source(%dma_start3A_169 : memref<200x64xf32, #tpu.memory_space<vmem>>) target(%dma_start3A_165 : memref<200x64xf32, #tpu.memory_space<hbm>>) target_semaphore(%arg9 : memref<!tpu.dma_semaphore, #tpu.memory_space<semaphore_mem>>)
      %mul3A_170 = arith.constant 2 : i32
      %mul3A_171 = arith.muli %scan3A_98, %mul3A_170 : i32
      %add3A_172 = arith.constant 1 : i32
      %add3A_173 = arith.addi %mul3A_171, %add3A_172 : i32
      %ge3A_174 = arith.constant 1 : i32
      %ge3A_175 = arith.cmpi sge, %add3A_173, %ge3A_174 : i32
      %convert_element_type3A_176 = arith.extui %ge3A_175 : i1 to i32
      %cond3A_177 = arith.constant 0 : i32
      %cond3A_178 = arith.cmpi ne, %convert_element_type3A_176, %cond3A_177 : i32
      scf.if %cond3A_178 {
        %dma_wait3A_246 = arith.constant 0 : i32
        %dma_wait3A_247 = arith.constant 0 : i32
        %dma_wait3A_248 = arith.constant 0 : i32
        %dma_wait3A_249 = arith.constant 0 : i32
        %dma_wait3A_250 = tpu.memref_slice %arg6[%dma_wait3A_246, %dma_wait3A_248, %dma_wait3A_249] : memref<2x400x64xf32, #tpu.memory_space<vmem>> -> memref<1x200x64xf32, #tpu.memory_space<vmem>>
        %dma_wait3A_251 = tpu.memref_squeeze %dma_wait3A_250 : memref<1x200x64xf32, #tpu.memory_space<vmem>> -> memref<200x64xf32, #tpu.memory_space<vmem>>
        %dma_wait3A_252 = arith.constant 0 : i32
        %dma_wait3A_253 = arith.constant 0 : i32
        %dma_wait3A_254 = tpu.memref_slice %arg4[%dma_wait3A_247, %dma_wait3A_252, %dma_wait3A_253] : memref<4096x200x64xf32, #tpu.memory_space<hbm>> -> memref<1x200x64xf32, #tpu.memory_space<hbm>>
        %dma_wait3A_255 = tpu.memref_squeeze %dma_wait3A_254 : memref<1x200x64xf32, #tpu.memory_space<hbm>> -> memref<200x64xf32, #tpu.memory_space<hbm>>
        %dma_wait3A_256 = arith.constant 0 : i32
        %dma_wait3A_257 = arith.constant 0 : i32
        %dma_wait3A_258 = tpu.memref_slice %arg4[%dma_wait3A_247, %dma_wait3A_256, %dma_wait3A_257] : memref<4096x200x64xf32, #tpu.memory_space<hbm>> -> memref<1x200x64xf32, #tpu.memory_space<hbm>>
        %dma_wait3A_259 = tpu.memref_squeeze %dma_wait3A_258 : memref<1x200x64xf32, #tpu.memory_space<hbm>> -> memref<200x64xf32, #tpu.memory_space<hbm>>
        %dma_wait3A_260 = arith.constant 0 : i32
        %dma_wait3A_261 = arith.constant 0 : i32
        %dma_wait3A_262 = tpu.memref_slice %arg6[%dma_wait3A_246, %dma_wait3A_260, %dma_wait3A_261] : memref<2x400x64xf32, #tpu.memory_space<vmem>> -> memref<1x200x64xf32, #tpu.memory_space<vmem>>
        %dma_wait3A_263 = tpu.memref_squeeze %dma_wait3A_262 : memref<1x200x64xf32, #tpu.memory_space<vmem>> -> memref<200x64xf32, #tpu.memory_space<vmem>>
        tpu.wait_dma2 semaphore(%arg9 : memref<!tpu.dma_semaphore, #tpu.memory_space<semaphore_mem>>) src(%dma_wait3A_263 : memref<200x64xf32, #tpu.memory_space<vmem>>) dst(%dma_wait3A_259 : memref<200x64xf32, #tpu.memory_space<hbm>>)
        %dma_wait3A_264 = arith.constant 0 : i32
        %dma_wait3A_265 = arith.constant 0 : i32
        %dma_wait3A_266 = arith.constant 200 : i32
        %dma_wait3A_267 = arith.constant 0 : i32
        %dma_wait3A_268 = tpu.memref_slice %arg6[%dma_wait3A_264, %dma_wait3A_266, %dma_wait3A_267] : memref<2x400x64xf32, #tpu.memory_space<vmem>> -> memref<1x200x64xf32, #tpu.memory_space<vmem>>
        %dma_wait3A_269 = tpu.memref_squeeze %dma_wait3A_268 : memref<1x200x64xf32, #tpu.memory_space<vmem>> -> memref<200x64xf32, #tpu.memory_space<vmem>>
        %dma_wait3A_270 = arith.constant 0 : i32
        %dma_wait3A_271 = arith.constant 0 : i32
        %dma_wait3A_272 = tpu.memref_slice %arg4[%dma_wait3A_265, %dma_wait3A_270, %dma_wait3A_271] : memref<4096x200x64xf32, #tpu.memory_space<hbm>> -> memref<1x200x64xf32, #tpu.memory_space<hbm>>
        %dma_wait3A_273 = tpu.memref_squeeze %dma_wait3A_272 : memref<1x200x64xf32, #tpu.memory_space<hbm>> -> memref<200x64xf32, #tpu.memory_space<hbm>>
        %dma_wait3A_274 = arith.constant 0 : i32
        %dma_wait3A_275 = arith.constant 0 : i32
        %dma_wait3A_276 = tpu.memref_slice %arg4[%dma_wait3A_265, %dma_wait3A_274, %dma_wait3A_275] : memref<4096x200x64xf32, #tpu.memory_space<hbm>> -> memref<1x200x64xf32, #tpu.memory_space<hbm>>
        %dma_wait3A_277 = tpu.memref_squeeze %dma_wait3A_276 : memref<1x200x64xf32, #tpu.memory_space<hbm>> -> memref<200x64xf32, #tpu.memory_space<hbm>>
        %dma_wait3A_278 = arith.constant 200 : i32
        %dma_wait3A_279 = arith.constant 0 : i32
        %dma_wait3A_280 = tpu.memref_slice %arg6[%dma_wait3A_264, %dma_wait3A_278, %dma_wait3A_279] : memref<2x400x64xf32, #tpu.memory_space<vmem>> -> memref<1x200x64xf32, #tpu.memory_space<vmem>>
        %dma_wait3A_281 = tpu.memref_squeeze %dma_wait3A_280 : memref<1x200x64xf32, #tpu.memory_space<vmem>> -> memref<200x64xf32, #tpu.memory_space<vmem>>
        tpu.wait_dma2 semaphore(%arg9 : memref<!tpu.dma_semaphore, #tpu.memory_space<semaphore_mem>>) src(%dma_wait3A_281 : memref<200x64xf32, #tpu.memory_space<vmem>>) dst(%dma_wait3A_277 : memref<200x64xf32, #tpu.memory_space<hbm>>)
      } else {
      }
      %add3A_179 = arith.constant 1 : i32
      %add3A_180 = arith.addi %add3A_173, %add3A_179 : i32
      %lt3A_181 = arith.constant 64 : i32
      %lt3A_182 = arith.cmpi slt, %add3A_180, %lt3A_181 : i32
      %convert_element_type3A_183 = arith.extui %lt3A_182 : i1 to i32
      %cond3A_184 = arith.constant 0 : i32
      %cond3A_185 = arith.cmpi ne, %convert_element_type3A_183, %cond3A_184 : i32
      scf.if %cond3A_185 {
        %add3A_246 = arith.constant 1 : i32
        %add3A_247 = arith.addi %add3A_173, %add3A_246 : i32
        %mul3A_248 = arith.constant 400 : i32
        %mul3A_249 = arith.muli %add3A_247, %mul3A_248 : i32
        %add3A_250 = arith.constant 0 : i32
        %add3A_251 = arith.addi %mul3A_249, %add3A_250 : i32
        %multiple_of3A_252 = tpu.assume_multiple %add3A_251, 8 : i32
        %dma_start3A_253 = arith.constant 0 : i32
        %dma_start3A_254 = arith.constant 0 : i32
        %dma_start3A_255 = arith.constant 0 : i32
        %dma_start3A_256 = tpu.memref_slice %arg6[%dma_start3A_253, %dma_start3A_254, %dma_start3A_255] : memref<2x400x64xf32, #tpu.memory_space<vmem>> -> memref<1x80x64xf32, #tpu.memory_space<vmem>>
        %dma_start3A_257 = tpu.memref_squeeze %dma_start3A_256 : memref<1x80x64xf32, #tpu.memory_space<vmem>> -> memref<80x64xf32, #tpu.memory_space<vmem>>
        %dma_start3A_258 = tpu.memref_slice %arg5[%multiple_of3A_252] : memref<25600xi32, #tpu.memory_space<vmem>> -> memref<80xi32, #tpu.memory_space<vmem>>
        %dma_start3A_259 = arith.constant 0 : i32
        %dma_start3A_260 = arith.constant 0 : i32
        %dma_start3A_261 = tpu.memref_slice %arg3[%dma_start3A_259, %dma_start3A_260] : memref<1000000x64xf32, #tpu.memory_space<hbm>> -> memref<1000000x64xf32, #tpu.memory_space<hbm>>
        tpu.enqueue_indirect_dma source(%dma_start3A_261 : memref<1000000x64xf32, #tpu.memory_space<hbm>>) target(%dma_start3A_257 : memref<80x64xf32, #tpu.memory_space<vmem>>) offsets(%dma_start3A_258 : memref<80xi32, #tpu.memory_space<vmem>>) semaphore(%arg7 : memref<!tpu.dma_semaphore, #tpu.memory_space<semaphore_mem>>)
        %mul3A_262 = arith.constant 400 : i32
        %mul3A_263 = arith.muli %add3A_247, %mul3A_262 : i32
        %add3A_264 = arith.constant 80 : i32
        %add3A_265 = arith.addi %mul3A_263, %add3A_264 : i32
        %multiple_of3A_266 = tpu.assume_multiple %add3A_265, 8 : i32
        %dma_start3A_267 = arith.constant 0 : i32
        %dma_start3A_268 = arith.constant 80 : i32
        %dma_start3A_269 = arith.constant 0 : i32
        %dma_start3A_270 = tpu.memref_slice %arg6[%dma_start3A_267, %dma_start3A_268, %dma_start3A_269] : memref<2x400x64xf32, #tpu.memory_space<vmem>> -> memref<1x80x64xf32, #tpu.memory_space<vmem>>
        %dma_start3A_271 = tpu.memref_squeeze %dma_start3A_270 : memref<1x80x64xf32, #tpu.memory_space<vmem>> -> memref<80x64xf32, #tpu.memory_space<vmem>>
        %dma_start3A_272 = tpu.memref_slice %arg5[%multiple_of3A_266] : memref<25600xi32, #tpu.memory_space<vmem>> -> memref<80xi32, #tpu.memory_space<vmem>>
        %dma_start3A_273 = arith.constant 0 : i32
        %dma_start3A_274 = arith.constant 0 : i32
        %dma_start3A_275 = tpu.memref_slice %arg3[%dma_start3A_273, %dma_start3A_274] : memref<1000000x64xf32, #tpu.memory_space<hbm>> -> memref<1000000x64xf32, #tpu.memory_space<hbm>>
        tpu.enqueue_indirect_dma source(%dma_start3A_275 : memref<1000000x64xf32, #tpu.memory_space<hbm>>) target(%dma_start3A_271 : memref<80x64xf32, #tpu.memory_space<vmem>>) offsets(%dma_start3A_272 : memref<80xi32, #tpu.memory_space<vmem>>) semaphore(%arg7 : memref<!tpu.dma_semaphore, #tpu.memory_space<semaphore_mem>>)
        %mul3A_276 = arith.constant 400 : i32
        %mul3A_277 = arith.muli %add3A_247, %mul3A_276 : i32
        %add3A_278 = arith.constant 160 : i32
        %add3A_279 = arith.addi %mul3A_277, %add3A_278 : i32
        %multiple_of3A_280 = tpu.assume_multiple %add3A_279, 8 : i32
        %dma_start3A_281 = arith.constant 0 : i32
        %dma_start3A_282 = arith.constant 160 : i32
        %dma_start3A_283 = arith.constant 0 : i32
        %dma_start3A_284 = tpu.memref_slice %arg6[%dma_start3A_281, %dma_start3A_282, %dma_start3A_283] : memref<2x400x64xf32, #tpu.memory_space<vmem>> -> memref<1x80x64xf32, #tpu.memory_space<vmem>>
        %dma_start3A_285 = tpu.memref_squeeze %dma_start3A_284 : memref<1x80x64xf32, #tpu.memory_space<vmem>> -> memref<80x64xf32, #tpu.memory_space<vmem>>
        %dma_start3A_286 = tpu.memref_slice %arg5[%multiple_of3A_280] : memref<25600xi32, #tpu.memory_space<vmem>> -> memref<80xi32, #tpu.memory_space<vmem>>
        %dma_start3A_287 = arith.constant 0 : i32
        %dma_start3A_288 = arith.constant 0 : i32
        %dma_start3A_289 = tpu.memref_slice %arg3[%dma_start3A_287, %dma_start3A_288] : memref<1000000x64xf32, #tpu.memory_space<hbm>> -> memref<1000000x64xf32, #tpu.memory_space<hbm>>
        tpu.enqueue_indirect_dma source(%dma_start3A_289 : memref<1000000x64xf32, #tpu.memory_space<hbm>>) target(%dma_start3A_285 : memref<80x64xf32, #tpu.memory_space<vmem>>) offsets(%dma_start3A_286 : memref<80xi32, #tpu.memory_space<vmem>>) semaphore(%arg7 : memref<!tpu.dma_semaphore, #tpu.memory_space<semaphore_mem>>)
        %mul3A_290 = arith.constant 400 : i32
        %mul3A_291 = arith.muli %add3A_247, %mul3A_290 : i32
        %add3A_292 = arith.constant 240 : i32
        %add3A_293 = arith.addi %mul3A_291, %add3A_292 : i32
        %multiple_of3A_294 = tpu.assume_multiple %add3A_293, 8 : i32
        %dma_start3A_295 = arith.constant 0 : i32
        %dma_start3A_296 = arith.constant 240 : i32
        %dma_start3A_297 = arith.constant 0 : i32
        %dma_start3A_298 = tpu.memref_slice %arg6[%dma_start3A_295, %dma_start3A_296, %dma_start3A_297] : memref<2x400x64xf32, #tpu.memory_space<vmem>> -> memref<1x80x64xf32, #tpu.memory_space<vmem>>
        %dma_start3A_299 = tpu.memref_squeeze %dma_start3A_298 : memref<1x80x64xf32, #tpu.memory_space<vmem>> -> memref<80x64xf32, #tpu.memory_space<vmem>>
        %dma_start3A_300 = tpu.memref_slice %arg5[%multiple_of3A_294] : memref<25600xi32, #tpu.memory_space<vmem>> -> memref<80xi32, #tpu.memory_space<vmem>>
        %dma_start3A_301 = arith.constant 0 : i32
        %dma_start3A_302 = arith.constant 0 : i32
        %dma_start3A_303 = tpu.memref_slice %arg3[%dma_start3A_301, %dma_start3A_302] : memref<1000000x64xf32, #tpu.memory_space<hbm>> -> memref<1000000x64xf32, #tpu.memory_space<hbm>>
        tpu.enqueue_indirect_dma source(%dma_start3A_303 : memref<1000000x64xf32, #tpu.memory_space<hbm>>) target(%dma_start3A_299 : memref<80x64xf32, #tpu.memory_space<vmem>>) offsets(%dma_start3A_300 : memref<80xi32, #tpu.memory_space<vmem>>) semaphore(%arg7 : memref<!tpu.dma_semaphore, #tpu.memory_space<semaphore_mem>>)
        %mul3A_304 = arith.constant 400 : i32
        %mul3A_305 = arith.muli %add3A_247, %mul3A_304 : i32
        %add3A_306 = arith.constant 320 : i32
        %add3A_307 = arith.addi %mul3A_305, %add3A_306 : i32
        %multiple_of3A_308 = tpu.assume_multiple %add3A_307, 8 : i32
        %dma_start3A_309 = arith.constant 0 : i32
        %dma_start3A_310 = arith.constant 320 : i32
        %dma_start3A_311 = arith.constant 0 : i32
        %dma_start3A_312 = tpu.memref_slice %arg6[%dma_start3A_309, %dma_start3A_310, %dma_start3A_311] : memref<2x400x64xf32, #tpu.memory_space<vmem>> -> memref<1x80x64xf32, #tpu.memory_space<vmem>>
        %dma_start3A_313 = tpu.memref_squeeze %dma_start3A_312 : memref<1x80x64xf32, #tpu.memory_space<vmem>> -> memref<80x64xf32, #tpu.memory_space<vmem>>
        %dma_start3A_314 = tpu.memref_slice %arg5[%multiple_of3A_308] : memref<25600xi32, #tpu.memory_space<vmem>> -> memref<80xi32, #tpu.memory_space<vmem>>
        %dma_start3A_315 = arith.constant 0 : i32
        %dma_start3A_316 = arith.constant 0 : i32
        %dma_start3A_317 = tpu.memref_slice %arg3[%dma_start3A_315, %dma_start3A_316] : memref<1000000x64xf32, #tpu.memory_space<hbm>> -> memref<1000000x64xf32, #tpu.memory_space<hbm>>
        tpu.enqueue_indirect_dma source(%dma_start3A_317 : memref<1000000x64xf32, #tpu.memory_space<hbm>>) target(%dma_start3A_313 : memref<80x64xf32, #tpu.memory_space<vmem>>) offsets(%dma_start3A_314 : memref<80xi32, #tpu.memory_space<vmem>>) semaphore(%arg7 : memref<!tpu.dma_semaphore, #tpu.memory_space<semaphore_mem>>)
      } else {
      }
      %dma_wait3A_186 = arith.constant 1 : i32
      %dma_wait3A_187 = arith.constant 0 : i32
      %dma_wait3A_188 = arith.constant 0 : i32
      %dma_wait3A_189 = tpu.memref_slice %arg6[%dma_wait3A_186, %dma_wait3A_187, %dma_wait3A_188] : memref<2x400x64xf32, #tpu.memory_space<vmem>> -> memref<1x400x64xf32, #tpu.memory_space<vmem>>
      %dma_wait3A_190 = tpu.memref_squeeze %dma_wait3A_189 : memref<1x400x64xf32, #tpu.memory_space<vmem>> -> memref<400x64xf32, #tpu.memory_space<vmem>>
      %dma_wait3A_191 = arith.constant 0 : i32
      %dma_wait3A_192 = arith.constant 0 : i32
      %dma_wait3A_193 = tpu.memref_slice %arg3[%dma_wait3A_191, %dma_wait3A_192] : memref<1000000x64xf32, #tpu.memory_space<hbm>> -> memref<400x64xf32, #tpu.memory_space<hbm>>
      %dma_wait3A_194 = arith.constant 0 : i32
      %dma_wait3A_195 = arith.constant 0 : i32
      %dma_wait3A_196 = tpu.memref_slice %arg6[%dma_wait3A_186, %dma_wait3A_194, %dma_wait3A_195] : memref<2x400x64xf32, #tpu.memory_space<vmem>> -> memref<1x400x64xf32, #tpu.memory_space<vmem>>
      %dma_wait3A_197 = tpu.memref_squeeze %dma_wait3A_196 : memref<1x400x64xf32, #tpu.memory_space<vmem>> -> memref<400x64xf32, #tpu.memory_space<vmem>>
      %dma_wait3A_198 = arith.constant 0 : i32
      %dma_wait3A_199 = arith.constant 0 : i32
      %dma_wait3A_200 = tpu.memref_slice %arg3[%dma_wait3A_198, %dma_wait3A_199] : memref<1000000x64xf32, #tpu.memory_space<hbm>> -> memref<400x64xf32, #tpu.memory_space<hbm>>
      tpu.wait_dma2 semaphore(%arg8 : memref<!tpu.dma_semaphore, #tpu.memory_space<semaphore_mem>>) src(%dma_wait3A_200 : memref<400x64xf32, #tpu.memory_space<hbm>>) dst(%dma_wait3A_197 : memref<400x64xf32, #tpu.memory_space<vmem>>)
      %parallel_loop3A_201 = arith.constant 0 : i32
      %parallel_loop3A_202 = arith.constant 100 : i32
      %parallel_loop3A_203 = arith.constant 1 : i32
      %parallel_loop3A_204 = arith.constant 1 : i32
      scf.for %parallel_loop3A_246 = %parallel_loop3A_201 to %parallel_loop3A_202 step %parallel_loop3A_203  : i32 {
        %parallel_loop3A_247 = arith.constant 4 : i32
        %parallel_loop3A_248 = arith.muli %parallel_loop3A_246, %parallel_loop3A_247 : i32
        %parallel_loop3A_249 = arith.constant 0 : i32
        %parallel_loop3A_250 = arith.addi %parallel_loop3A_248, %parallel_loop3A_249 : i32
        %parallel_loop3A_251 = arith.constant 0 : i32
        %parallel_loop3A_252 = arith.constant 0 : i32
        %parallel_loop3A_253 = tpu.memref_slice %arg6[%parallel_loop3A_204, %parallel_loop3A_251, %parallel_loop3A_252] : memref<2x400x64xf32, #tpu.memory_space<vmem>> -> memref<1x400x64xf32, #tpu.memory_space<vmem>>
        %parallel_loop3A_254 = tpu.memref_squeeze %parallel_loop3A_253 : memref<1x400x64xf32, #tpu.memory_space<vmem>> -> memref<400x64xf32, #tpu.memory_space<vmem>>
        %parallel_loop3A_255 = arith.index_cast %parallel_loop3A_250 : i32 to index
        %parallel_loop3A_256 = arith.constant 0 : index
        %parallel_loop3A_257 = tpu.vector_load %parallel_loop3A_254[%parallel_loop3A_255, %parallel_loop3A_256] {strides = array<i32>} : memref<400x64xf32, #tpu.memory_space<vmem>>, vector<1x16xf32>,
        %parallel_loop3A_258 = vector.shape_cast %parallel_loop3A_257 : vector<1x16xf32> to vector<16xf32>
        %parallel_loop3A_259 = arith.constant 8.000000e+00 : f32
        %parallel_loop3A_260 = vector.broadcast %parallel_loop3A_259 : f32 to vector<16xf32>
        %parallel_loop3A_261 = arith.mulf %parallel_loop3A_258, %parallel_loop3A_260 : vector<16xf32>
        %parallel_loop3A_262 = arith.constant 0 : i32
        %parallel_loop3A_263 = arith.addi %parallel_loop3A_248, %parallel_loop3A_262 : i32
        %parallel_loop3A_264 = arith.constant 0 : i32
        %parallel_loop3A_265 = arith.constant 0 : i32
        %parallel_loop3A_266 = tpu.memref_slice %arg6[%parallel_loop3A_204, %parallel_loop3A_264, %parallel_loop3A_265] : memref<2x400x64xf32, #tpu.memory_space<vmem>> -> memref<1x400x64xf32, #tpu.memory_space<vmem>>
        %parallel_loop3A_267 = tpu.memref_squeeze %parallel_loop3A_266 : memref<1x400x64xf32, #tpu.memory_space<vmem>> -> memref<400x64xf32, #tpu.memory_space<vmem>>
        %parallel_loop3A_268 = arith.index_cast %parallel_loop3A_263 : i32 to index
        %parallel_loop3A_269 = arith.constant 0 : index
        %parallel_loop3A_270 = tpu.vector_load %parallel_loop3A_267[%parallel_loop3A_268, %parallel_loop3A_269] {strides = array<i32>} : memref<400x64xf32, #tpu.memory_space<vmem>>, vector<1x16xf32>,
        %parallel_loop3A_271 = vector.shape_cast %parallel_loop3A_270 : vector<1x16xf32> to vector<16xf32>
        %parallel_loop3A_272 = vector.shape_cast %parallel_loop3A_261 : vector<16xf32> to vector<1x16xf32>
        tpu.vector_store %parallel_loop3A_267[%parallel_loop3A_268, %parallel_loop3A_269], %parallel_loop3A_272 {strides = array<i32>} : memref<400x64xf32, #tpu.memory_space<vmem>>, vector<1x16xf32>,
        %parallel_loop3A_273 = arith.constant 0 : i32
        %parallel_loop3A_274 = arith.addi %parallel_loop3A_248, %parallel_loop3A_273 : i32
        %parallel_loop3A_275 = arith.constant 0 : i32
        %parallel_loop3A_276 = arith.constant 0 : i32
        %parallel_loop3A_277 = tpu.memref_slice %arg6[%parallel_loop3A_204, %parallel_loop3A_275, %parallel_loop3A_276] : memref<2x400x64xf32, #tpu.memory_space<vmem>> -> memref<1x400x64xf32, #tpu.memory_space<vmem>>
        %parallel_loop3A_278 = tpu.memref_squeeze %parallel_loop3A_277 : memref<1x400x64xf32, #tpu.memory_space<vmem>> -> memref<400x64xf32, #tpu.memory_space<vmem>>
        %parallel_loop3A_279 = arith.index_cast %parallel_loop3A_274 : i32 to index
        %parallel_loop3A_280 = arith.constant 16 : index
        %parallel_loop3A_281 = tpu.vector_load %parallel_loop3A_278[%parallel_loop3A_279, %parallel_loop3A_280] {strides = array<i32>} : memref<400x64xf32, #tpu.memory_space<vmem>>, vector<1x16xf32>,
        %parallel_loop3A_282 = vector.shape_cast %parallel_loop3A_281 : vector<1x16xf32> to vector<16xf32>
        %parallel_loop3A_283 = arith.constant 8.000000e+00 : f32
        %parallel_loop3A_284 = vector.broadcast %parallel_loop3A_283 : f32 to vector<16xf32>
        %parallel_loop3A_285 = arith.mulf %parallel_loop3A_282, %parallel_loop3A_284 : vector<16xf32>
        %parallel_loop3A_286 = arith.constant 0 : i32
        %parallel_loop3A_287 = arith.addi %parallel_loop3A_248, %parallel_loop3A_286 : i32
        %parallel_loop3A_288 = arith.constant 0 : i32
        %parallel_loop3A_289 = arith.constant 0 : i32
        %parallel_loop3A_290 = tpu.memref_slice %arg6[%parallel_loop3A_204, %parallel_loop3A_288, %parallel_loop3A_289] : memref<2x400x64xf32, #tpu.memory_space<vmem>> -> memref<1x400x64xf32, #tpu.memory_space<vmem>>
        %parallel_loop3A_291 = tpu.memref_squeeze %parallel_loop3A_290 : memref<1x400x64xf32, #tpu.memory_space<vmem>> -> memref<400x64xf32, #tpu.memory_space<vmem>>
        %parallel_loop3A_292 = arith.index_cast %parallel_loop3A_287 : i32 to index
        %parallel_loop3A_293 = arith.constant 16 : index
        %parallel_loop3A_294 = tpu.vector_load %parallel_loop3A_291[%parallel_loop3A_292, %parallel_loop3A_293] {strides = array<i32>} : memref<400x64xf32, #tpu.memory_space<vmem>>, vector<1x16xf32>,
        %parallel_loop3A_295 = vector.shape_cast %parallel_loop3A_294 : vector<1x16xf32> to vector<16xf32>
        %parallel_loop3A_296 = vector.shape_cast %parallel_loop3A_285 : vector<16xf32> to vector<1x16xf32>
        tpu.vector_store %parallel_loop3A_291[%parallel_loop3A_292, %parallel_loop3A_293], %parallel_loop3A_296 {strides = array<i32>} : memref<400x64xf32, #tpu.memory_space<vmem>>, vector<1x16xf32>,
        %parallel_loop3A_297 = arith.constant 0 : i32
        %parallel_loop3A_298 = arith.addi %parallel_loop3A_248, %parallel_loop3A_297 : i32
        %parallel_loop3A_299 = arith.constant 0 : i32
        %parallel_loop3A_300 = arith.constant 0 : i32
        %parallel_loop3A_301 = tpu.memref_slice %arg6[%parallel_loop3A_204, %parallel_loop3A_299, %parallel_loop3A_300] : memref<2x400x64xf32, #tpu.memory_space<vmem>> -> memref<1x400x64xf32, #tpu.memory_space<vmem>>
        %parallel_loop3A_302 = tpu.memref_squeeze %parallel_loop3A_301 : memref<1x400x64xf32, #tpu.memory_space<vmem>> -> memref<400x64xf32, #tpu.memory_space<vmem>>
        %parallel_loop3A_303 = arith.index_cast %parallel_loop3A_298 : i32 to index
        %parallel_loop3A_304 = arith.constant 32 : index
        %parallel_loop3A_305 = tpu.vector_load %parallel_loop3A_302[%parallel_loop3A_303, %parallel_loop3A_304] {strides = array<i32>} : memref<400x64xf32, #tpu.memory_space<vmem>>, vector<1x16xf32>,
        %parallel_loop3A_306 = vector.shape_cast %parallel_loop3A_305 : vector<1x16xf32> to vector<16xf32>
        %parallel_loop3A_307 = arith.constant 8.000000e+00 : f32
        %parallel_loop3A_308 = vector.broadcast %parallel_loop3A_307 : f32 to vector<16xf32>
        %parallel_loop3A_309 = arith.mulf %parallel_loop3A_306, %parallel_loop3A_308 : vector<16xf32>
        %parallel_loop3A_310 = arith.constant 0 : i32
        %parallel_loop3A_311 = arith.addi %parallel_loop3A_248, %parallel_loop3A_310 : i32
        %parallel_loop3A_312 = arith.constant 0 : i32
        %parallel_loop3A_313 = arith.constant 0 : i32
        %parallel_loop3A_314 = tpu.memref_slice %arg6[%parallel_loop3A_204, %parallel_loop3A_312, %parallel_loop3A_313] : memref<2x400x64xf32, #tpu.memory_space<vmem>> -> memref<1x400x64xf32, #tpu.memory_space<vmem>>
        %parallel_loop3A_315 = tpu.memref_squeeze %parallel_loop3A_314 : memref<1x400x64xf32, #tpu.memory_space<vmem>> -> memref<400x64xf32, #tpu.memory_space<vmem>>
        %parallel_loop3A_316 = arith.index_cast %parallel_loop3A_311 : i32 to index
        %parallel_loop3A_317 = arith.constant 32 : index
        %parallel_loop3A_318 = tpu.vector_load %parallel_loop3A_315[%parallel_loop3A_316, %parallel_loop3A_317] {strides = array<i32>} : memref<400x64xf32, #tpu.memory_space<vmem>>, vector<1x16xf32>,
        %parallel_loop3A_319 = vector.shape_cast %parallel_loop3A_318 : vector<1x16xf32> to vector<16xf32>
        %parallel_loop3A_320 = vector.shape_cast %parallel_loop3A_309 : vector<16xf32> to vector<1x16xf32>
        tpu.vector_store %parallel_loop3A_315[%parallel_loop3A_316, %parallel_loop3A_317], %parallel_loop3A_320 {strides = array<i32>} : memref<400x64xf32, #tpu.memory_space<vmem>>, vector<1x16xf32>,
        %parallel_loop3A_321 = arith.constant 0 : i32
        %parallel_loop3A_322 = arith.addi %parallel_loop3A_248, %parallel_loop3A_321 : i32
        %parallel_loop3A_323 = arith.constant 0 : i32
        %parallel_loop3A_324 = arith.constant 0 : i32
        %parallel_loop3A_325 = tpu.memref_slice %arg6[%parallel_loop3A_204, %parallel_loop3A_323, %parallel_loop3A_324] : memref<2x400x64xf32, #tpu.memory_space<vmem>> -> memref<1x400x64xf32, #tpu.memory_space<vmem>>
        %parallel_loop3A_326 = tpu.memref_squeeze %parallel_loop3A_325 : memref<1x400x64xf32, #tpu.memory_space<vmem>> -> memref<400x64xf32, #tpu.memory_space<vmem>>
        %parallel_loop3A_327 = arith.index_cast %parallel_loop3A_322 : i32 to index
        %parallel_loop3A_328 = arith.constant 48 : index
        %parallel_loop3A_329 = tpu.vector_load %parallel_loop3A_326[%parallel_loop3A_327, %parallel_loop3A_328] {strides = array<i32>} : memref<400x64xf32, #tpu.memory_space<vmem>>, vector<1x16xf32>,
        %parallel_loop3A_330 = vector.shape_cast %parallel_loop3A_329 : vector<1x16xf32> to vector<16xf32>
        %parallel_loop3A_331 = arith.constant 8.000000e+00 : f32
        %parallel_loop3A_332 = vector.broadcast %parallel_loop3A_331 : f32 to vector<16xf32>
        %parallel_loop3A_333 = arith.mulf %parallel_loop3A_330, %parallel_loop3A_332 : vector<16xf32>
        %parallel_loop3A_334 = arith.constant 0 : i32
        %parallel_loop3A_335 = arith.addi %parallel_loop3A_248, %parallel_loop3A_334 : i32
        %parallel_loop3A_336 = arith.constant 0 : i32
        %parallel_loop3A_337 = arith.constant 0 : i32
        %parallel_loop3A_338 = tpu.memref_slice %arg6[%parallel_loop3A_204, %parallel_loop3A_336, %parallel_loop3A_337] : memref<2x400x64xf32, #tpu.memory_space<vmem>> -> memref<1x400x64xf32, #tpu.memory_space<vmem>>
        %parallel_loop3A_339 = tpu.memref_squeeze %parallel_loop3A_338 : memref<1x400x64xf32, #tpu.memory_space<vmem>> -> memref<400x64xf32, #tpu.memory_space<vmem>>
        %parallel_loop3A_340 = arith.index_cast %parallel_loop3A_335 : i32 to index
        %parallel_loop3A_341 = arith.constant 48 : index
        %parallel_loop3A_342 = tpu.vector_load %parallel_loop3A_339[%parallel_loop3A_340, %parallel_loop3A_341] {strides = array<i32>} : memref<400x64xf32, #tpu.memory_space<vmem>>, vector<1x16xf32>,
        %parallel_loop3A_343 = vector.shape_cast %parallel_loop3A_342 : vector<1x16xf32> to vector<16xf32>
        %parallel_loop3A_344 = vector.shape_cast %parallel_loop3A_333 : vector<16xf32> to vector<1x16xf32>
        tpu.vector_store %parallel_loop3A_339[%parallel_loop3A_340, %parallel_loop3A_341], %parallel_loop3A_344 {strides = array<i32>} : memref<400x64xf32, #tpu.memory_space<vmem>>, vector<1x16xf32>,
        %parallel_loop3A_345 = arith.constant 1 : i32
        %parallel_loop3A_346 = arith.addi %parallel_loop3A_248, %parallel_loop3A_345 : i32
        %parallel_loop3A_347 = arith.constant 0 : i32
        %parallel_loop3A_348 = arith.constant 0 : i32
        %parallel_loop3A_349 = tpu.memref_slice %arg6[%parallel_loop3A_204, %parallel_loop3A_347, %parallel_loop3A_348] : memref<2x400x64xf32, #tpu.memory_space<vmem>> -> memref<1x400x64xf32, #tpu.memory_space<vmem>>
        %parallel_loop3A_350 = tpu.memref_squeeze %parallel_loop3A_349 : memref<1x400x64xf32, #tpu.memory_space<vmem>> -> memref<400x64xf32, #tpu.memory_space<vmem>>
        %parallel_loop3A_351 = arith.index_cast %parallel_loop3A_346 : i32 to index
        %parallel_loop3A_352 = arith.constant 0 : index
        %parallel_loop3A_353 = tpu.vector_load %parallel_loop3A_350[%parallel_loop3A_351, %parallel_loop3A_352] {strides = array<i32>} : memref<400x64xf32, #tpu.memory_space<vmem>>, vector<1x16xf32>,
        %parallel_loop3A_354 = vector.shape_cast %parallel_loop3A_353 : vector<1x16xf32> to vector<16xf32>
        %parallel_loop3A_355 = arith.constant 8.000000e+00 : f32
        %parallel_loop3A_356 = vector.broadcast %parallel_loop3A_355 : f32 to vector<16xf32>
        %parallel_loop3A_357 = arith.mulf %parallel_loop3A_354, %parallel_loop3A_356 : vector<16xf32>
        %parallel_loop3A_358 = arith.constant 1 : i32
        %parallel_loop3A_359 = arith.addi %parallel_loop3A_248, %parallel_loop3A_358 : i32
        %parallel_loop3A_360 = arith.constant 0 : i32
        %parallel_loop3A_361 = arith.constant 0 : i32
        %parallel_loop3A_362 = tpu.memref_slice %arg6[%parallel_loop3A_204, %parallel_loop3A_360, %parallel_loop3A_361] : memref<2x400x64xf32, #tpu.memory_space<vmem>> -> memref<1x400x64xf32, #tpu.memory_space<vmem>>
        %parallel_loop3A_363 = tpu.memref_squeeze %parallel_loop3A_362 : memref<1x400x64xf32, #tpu.memory_space<vmem>> -> memref<400x64xf32, #tpu.memory_space<vmem>>
        %parallel_loop3A_364 = arith.index_cast %parallel_loop3A_359 : i32 to index
        %parallel_loop3A_365 = arith.constant 0 : index
        %parallel_loop3A_366 = tpu.vector_load %parallel_loop3A_363[%parallel_loop3A_364, %parallel_loop3A_365] {strides = array<i32>} : memref<400x64xf32, #tpu.memory_space<vmem>>, vector<1x16xf32>,
        %parallel_loop3A_367 = vector.shape_cast %parallel_loop3A_366 : vector<1x16xf32> to vector<16xf32>
        %parallel_loop3A_368 = vector.shape_cast %parallel_loop3A_357 : vector<16xf32> to vector<1x16xf32>
        tpu.vector_store %parallel_loop3A_363[%parallel_loop3A_364, %parallel_loop3A_365], %parallel_loop3A_368 {strides = array<i32>} : memref<400x64xf32, #tpu.memory_space<vmem>>, vector<1x16xf32>,
        %parallel_loop3A_369 = arith.constant 1 : i32
        %parallel_loop3A_370 = arith.addi %parallel_loop3A_248, %parallel_loop3A_369 : i32
        %parallel_loop3A_371 = arith.constant 0 : i32
        %parallel_loop3A_372 = arith.constant 0 : i32
        %parallel_loop3A_373 = tpu.memref_slice %arg6[%parallel_loop3A_204, %parallel_loop3A_371, %parallel_loop3A_372] : memref<2x400x64xf32, #tpu.memory_space<vmem>> -> memref<1x400x64xf32, #tpu.memory_space<vmem>>
        %parallel_loop3A_374 = tpu.memref_squeeze %parallel_loop3A_373 : memref<1x400x64xf32, #tpu.memory_space<vmem>> -> memref<400x64xf32, #tpu.memory_space<vmem>>
        %parallel_loop3A_375 = arith.index_cast %parallel_loop3A_370 : i32 to index
        %parallel_loop3A_376 = arith.constant 16 : index
        %parallel_loop3A_377 = tpu.vector_load %parallel_loop3A_374[%parallel_loop3A_375, %parallel_loop3A_376] {strides = array<i32>} : memref<400x64xf32, #tpu.memory_space<vmem>>, vector<1x16xf32>,
        %parallel_loop3A_378 = vector.shape_cast %parallel_loop3A_377 : vector<1x16xf32> to vector<16xf32>
        %parallel_loop3A_379 = arith.constant 8.000000e+00 : f32
        %parallel_loop3A_380 = vector.broadcast %parallel_loop3A_379 : f32 to vector<16xf32>
        %parallel_loop3A_381 = arith.mulf %parallel_loop3A_378, %parallel_loop3A_380 : vector<16xf32>
        %parallel_loop3A_382 = arith.constant 1 : i32
        %parallel_loop3A_383 = arith.addi %parallel_loop3A_248, %parallel_loop3A_382 : i32
        %parallel_loop3A_384 = arith.constant 0 : i32
        %parallel_loop3A_385 = arith.constant 0 : i32
        %parallel_loop3A_386 = tpu.memref_slice %arg6[%parallel_loop3A_204, %parallel_loop3A_384, %parallel_loop3A_385] : memref<2x400x64xf32, #tpu.memory_space<vmem>> -> memref<1x400x64xf32, #tpu.memory_space<vmem>>
        %parallel_loop3A_387 = tpu.memref_squeeze %parallel_loop3A_386 : memref<1x400x64xf32, #tpu.memory_space<vmem>> -> memref<400x64xf32, #tpu.memory_space<vmem>>
        %parallel_loop3A_388 = arith.index_cast %parallel_loop3A_383 : i32 to index
        %parallel_loop3A_389 = arith.constant 16 : index
        %parallel_loop3A_390 = tpu.vector_load %parallel_loop3A_387[%parallel_loop3A_388, %parallel_loop3A_389] {strides = array<i32>} : memref<400x64xf32, #tpu.memory_space<vmem>>, vector<1x16xf32>,
        %parallel_loop3A_391 = vector.shape_cast %parallel_loop3A_390 : vector<1x16xf32> to vector<16xf32>
        %parallel_loop3A_392 = vector.shape_cast %parallel_loop3A_381 : vector<16xf32> to vector<1x16xf32>
        tpu.vector_store %parallel_loop3A_387[%parallel_loop3A_388, %parallel_loop3A_389], %parallel_loop3A_392 {strides = array<i32>} : memref<400x64xf32, #tpu.memory_space<vmem>>, vector<1x16xf32>,
        %parallel_loop3A_393 = arith.constant 1 : i32
        %parallel_loop3A_394 = arith.addi %parallel_loop3A_248, %parallel_loop3A_393 : i32
        %parallel_loop3A_395 = arith.constant 0 : i32
        %parallel_loop3A_396 = arith.constant 0 : i32
        %parallel_loop3A_397 = tpu.memref_slice %arg6[%parallel_loop3A_204, %parallel_loop3A_395, %parallel_loop3A_396] : memref<2x400x64xf32, #tpu.memory_space<vmem>> -> memref<1x400x64xf32, #tpu.memory_space<vmem>>
        %parallel_loop3A_398 = tpu.memref_squeeze %parallel_loop3A_397 : memref<1x400x64xf32, #tpu.memory_space<vmem>> -> memref<400x64xf32, #tpu.memory_space<vmem>>
        %parallel_loop3A_399 = arith.index_cast %parallel_loop3A_394 : i32 to index
        %parallel_loop3A_400 = arith.constant 32 : index
        %parallel_loop3A_401 = tpu.vector_load %parallel_loop3A_398[%parallel_loop3A_399, %parallel_loop3A_400] {strides = array<i32>} : memref<400x64xf32, #tpu.memory_space<vmem>>, vector<1x16xf32>,
        %parallel_loop3A_402 = vector.shape_cast %parallel_loop3A_401 : vector<1x16xf32> to vector<16xf32>
        %parallel_loop3A_403 = arith.constant 8.000000e+00 : f32
        %parallel_loop3A_404 = vector.broadcast %parallel_loop3A_403 : f32 to vector<16xf32>
        %parallel_loop3A_405 = arith.mulf %parallel_loop3A_402, %parallel_loop3A_404 : vector<16xf32>
        %parallel_loop3A_406 = arith.constant 1 : i32
        %parallel_loop3A_407 = arith.addi %parallel_loop3A_248, %parallel_loop3A_406 : i32
        %parallel_loop3A_408 = arith.constant 0 : i32
        %parallel_loop3A_409 = arith.constant 0 : i32
        %parallel_loop3A_410 = tpu.memref_slice %arg6[%parallel_loop3A_204, %parallel_loop3A_408, %parallel_loop3A_409] : memref<2x400x64xf32, #tpu.memory_space<vmem>> -> memref<1x400x64xf32, #tpu.memory_space<vmem>>
        %parallel_loop3A_411 = tpu.memref_squeeze %parallel_loop3A_410 : memref<1x400x64xf32, #tpu.memory_space<vmem>> -> memref<400x64xf32, #tpu.memory_space<vmem>>
        %parallel_loop3A_412 = arith.index_cast %parallel_loop3A_407 : i32 to index
        %parallel_loop3A_413 = arith.constant 32 : index
        %parallel_loop3A_414 = tpu.vector_load %parallel_loop3A_411[%parallel_loop3A_412, %parallel_loop3A_413] {strides = array<i32>} : memref<400x64xf32, #tpu.memory_space<vmem>>, vector<1x16xf32>,
        %parallel_loop3A_415 = vector.shape_cast %parallel_loop3A_414 : vector<1x16xf32> to vector<16xf32>
        %parallel_loop3A_416 = vector.shape_cast %parallel_loop3A_405 : vector<16xf32> to vector<1x16xf32>
        tpu.vector_store %parallel_loop3A_411[%parallel_loop3A_412, %parallel_loop3A_413], %parallel_loop3A_416 {strides = array<i32>} : memref<400x64xf32, #tpu.memory_space<vmem>>, vector<1x16xf32>,
        %parallel_loop3A_417 = arith.constant 1 : i32
        %parallel_loop3A_418 = arith.addi %parallel_loop3A_248, %parallel_loop3A_417 : i32
        %parallel_loop3A_419 = arith.constant 0 : i32
        %parallel_loop3A_420 = arith.constant 0 : i32
        %parallel_loop3A_421 = tpu.memref_slice %arg6[%parallel_loop3A_204, %parallel_loop3A_419, %parallel_loop3A_420] : memref<2x400x64xf32, #tpu.memory_space<vmem>> -> memref<1x400x64xf32, #tpu.memory_space<vmem>>
        %parallel_loop3A_422 = tpu.memref_squeeze %parallel_loop3A_421 : memref<1x400x64xf32, #tpu.memory_space<vmem>> -> memref<400x64xf32, #tpu.memory_space<vmem>>
        %parallel_loop3A_423 = arith.index_cast %parallel_loop3A_418 : i32 to index
        %parallel_loop3A_424 = arith.constant 48 : index
        %parallel_loop3A_425 = tpu.vector_load %parallel_loop3A_422[%parallel_loop3A_423, %parallel_loop3A_424] {strides = array<i32>} : memref<400x64xf32, #tpu.memory_space<vmem>>, vector<1x16xf32>,
        %parallel_loop3A_426 = vector.shape_cast %parallel_loop3A_425 : vector<1x16xf32> to vector<16xf32>
        %parallel_loop3A_427 = arith.constant 8.000000e+00 : f32
        %parallel_loop3A_428 = vector.broadcast %parallel_loop3A_427 : f32 to vector<16xf32>
        %parallel_loop3A_429 = arith.mulf %parallel_loop3A_426, %parallel_loop3A_428 : vector<16xf32>
        %parallel_loop3A_430 = arith.constant 1 : i32
        %parallel_loop3A_431 = arith.addi %parallel_loop3A_248, %parallel_loop3A_430 : i32
        %parallel_loop3A_432 = arith.constant 0 : i32
        %parallel_loop3A_433 = arith.constant 0 : i32
        %parallel_loop3A_434 = tpu.memref_slice %arg6[%parallel_loop3A_204, %parallel_loop3A_432, %parallel_loop3A_433] : memref<2x400x64xf32, #tpu.memory_space<vmem>> -> memref<1x400x64xf32, #tpu.memory_space<vmem>>
        %parallel_loop3A_435 = tpu.memref_squeeze %parallel_loop3A_434 : memref<1x400x64xf32, #tpu.memory_space<vmem>> -> memref<400x64xf32, #tpu.memory_space<vmem>>
        %parallel_loop3A_436 = arith.index_cast %parallel_loop3A_431 : i32 to index
        %parallel_loop3A_437 = arith.constant 48 : index
        %parallel_loop3A_438 = tpu.vector_load %parallel_loop3A_435[%parallel_loop3A_436, %parallel_loop3A_437] {strides = array<i32>} : memref<400x64xf32, #tpu.memory_space<vmem>>, vector<1x16xf32>,
        %parallel_loop3A_439 = vector.shape_cast %parallel_loop3A_438 : vector<1x16xf32> to vector<16xf32>
        %parallel_loop3A_440 = vector.shape_cast %parallel_loop3A_429 : vector<16xf32> to vector<1x16xf32>
        tpu.vector_store %parallel_loop3A_435[%parallel_loop3A_436, %parallel_loop3A_437], %parallel_loop3A_440 {strides = array<i32>} : memref<400x64xf32, #tpu.memory_space<vmem>>, vector<1x16xf32>,
        %parallel_loop3A_441 = arith.constant 2 : i32
        %parallel_loop3A_442 = arith.addi %parallel_loop3A_248, %parallel_loop3A_441 : i32
        %parallel_loop3A_443 = arith.constant 0 : i32
        %parallel_loop3A_444 = arith.constant 0 : i32
        %parallel_loop3A_445 = tpu.memref_slice %arg6[%parallel_loop3A_204, %parallel_loop3A_443, %parallel_loop3A_444] : memref<2x400x64xf32, #tpu.memory_space<vmem>> -> memref<1x400x64xf32, #tpu.memory_space<vmem>>
        %parallel_loop3A_446 = tpu.memref_squeeze %parallel_loop3A_445 : memref<1x400x64xf32, #tpu.memory_space<vmem>> -> memref<400x64xf32, #tpu.memory_space<vmem>>
        %parallel_loop3A_447 = arith.index_cast %parallel_loop3A_442 : i32 to index
        %parallel_loop3A_448 = arith.constant 0 : index
        %parallel_loop3A_449 = tpu.vector_load %parallel_loop3A_446[%parallel_loop3A_447, %parallel_loop3A_448] {strides = array<i32>} : memref<400x64xf32, #tpu.memory_space<vmem>>, vector<1x16xf32>,
        %parallel_loop3A_450 = vector.shape_cast %parallel_loop3A_449 : vector<1x16xf32> to vector<16xf32>
        %parallel_loop3A_451 = arith.constant 8.000000e+00 : f32
        %parallel_loop3A_452 = vector.broadcast %parallel_loop3A_451 : f32 to vector<16xf32>
        %parallel_loop3A_453 = arith.mulf %parallel_loop3A_450, %parallel_loop3A_452 : vector<16xf32>
        %parallel_loop3A_454 = arith.constant 2 : i32
        %parallel_loop3A_455 = arith.addi %parallel_loop3A_248, %parallel_loop3A_454 : i32
        %parallel_loop3A_456 = arith.constant 0 : i32
        %parallel_loop3A_457 = arith.constant 0 : i32
        %parallel_loop3A_458 = tpu.memref_slice %arg6[%parallel_loop3A_204, %parallel_loop3A_456, %parallel_loop3A_457] : memref<2x400x64xf32, #tpu.memory_space<vmem>> -> memref<1x400x64xf32, #tpu.memory_space<vmem>>
        %parallel_loop3A_459 = tpu.memref_squeeze %parallel_loop3A_458 : memref<1x400x64xf32, #tpu.memory_space<vmem>> -> memref<400x64xf32, #tpu.memory_space<vmem>>
        %parallel_loop3A_460 = arith.index_cast %parallel_loop3A_455 : i32 to index
        %parallel_loop3A_461 = arith.constant 0 : index
        %parallel_loop3A_462 = tpu.vector_load %parallel_loop3A_459[%parallel_loop3A_460, %parallel_loop3A_461] {strides = array<i32>} : memref<400x64xf32, #tpu.memory_space<vmem>>, vector<1x16xf32>,
        %parallel_loop3A_463 = vector.shape_cast %parallel_loop3A_462 : vector<1x16xf32> to vector<16xf32>
        %parallel_loop3A_464 = vector.shape_cast %parallel_loop3A_453 : vector<16xf32> to vector<1x16xf32>
        tpu.vector_store %parallel_loop3A_459[%parallel_loop3A_460, %parallel_loop3A_461], %parallel_loop3A_464 {strides = array<i32>} : memref<400x64xf32, #tpu.memory_space<vmem>>, vector<1x16xf32>,
        %parallel_loop3A_465 = arith.constant 2 : i32
        %parallel_loop3A_466 = arith.addi %parallel_loop3A_248, %parallel_loop3A_465 : i32
        %parallel_loop3A_467 = arith.constant 0 : i32
        %parallel_loop3A_468 = arith.constant 0 : i32
        %parallel_loop3A_469 = tpu.memref_slice %arg6[%parallel_loop3A_204, %parallel_loop3A_467, %parallel_loop3A_468] : memref<2x400x64xf32, #tpu.memory_space<vmem>> -> memref<1x400x64xf32, #tpu.memory_space<vmem>>
        %parallel_loop3A_470 = tpu.memref_squeeze %parallel_loop3A_469 : memref<1x400x64xf32, #tpu.memory_space<vmem>> -> memref<400x64xf32, #tpu.memory_space<vmem>>
        %parallel_loop3A_471 = arith.index_cast %parallel_loop3A_466 : i32 to index
        %parallel_loop3A_472 = arith.constant 16 : index
        %parallel_loop3A_473 = tpu.vector_load %parallel_loop3A_470[%parallel_loop3A_471, %parallel_loop3A_472] {strides = array<i32>} : memref<400x64xf32, #tpu.memory_space<vmem>>, vector<1x16xf32>,
        %parallel_loop3A_474 = vector.shape_cast %parallel_loop3A_473 : vector<1x16xf32> to vector<16xf32>
        %parallel_loop3A_475 = arith.constant 8.000000e+00 : f32
        %parallel_loop3A_476 = vector.broadcast %parallel_loop3A_475 : f32 to vector<16xf32>
        %parallel_loop3A_477 = arith.mulf %parallel_loop3A_474, %parallel_loop3A_476 : vector<16xf32>
        %parallel_loop3A_478 = arith.constant 2 : i32
        %parallel_loop3A_479 = arith.addi %parallel_loop3A_248, %parallel_loop3A_478 : i32
        %parallel_loop3A_480 = arith.constant 0 : i32
        %parallel_loop3A_481 = arith.constant 0 : i32
        %parallel_loop3A_482 = tpu.memref_slice %arg6[%parallel_loop3A_204, %parallel_loop3A_480, %parallel_loop3A_481] : memref<2x400x64xf32, #tpu.memory_space<vmem>> -> memref<1x400x64xf32, #tpu.memory_space<vmem>>
        %parallel_loop3A_483 = tpu.memref_squeeze %parallel_loop3A_482 : memref<1x400x64xf32, #tpu.memory_space<vmem>> -> memref<400x64xf32, #tpu.memory_space<vmem>>
        %parallel_loop3A_484 = arith.index_cast %parallel_loop3A_479 : i32 to index
        %parallel_loop3A_485 = arith.constant 16 : index
        %parallel_loop3A_486 = tpu.vector_load %parallel_loop3A_483[%parallel_loop3A_484, %parallel_loop3A_485] {strides = array<i32>} : memref<400x64xf32, #tpu.memory_space<vmem>>, vector<1x16xf32>,
        %parallel_loop3A_487 = vector.shape_cast %parallel_loop3A_486 : vector<1x16xf32> to vector<16xf32>
        %parallel_loop3A_488 = vector.shape_cast %parallel_loop3A_477 : vector<16xf32> to vector<1x16xf32>
        tpu.vector_store %parallel_loop3A_483[%parallel_loop3A_484, %parallel_loop3A_485], %parallel_loop3A_488 {strides = array<i32>} : memref<400x64xf32, #tpu.memory_space<vmem>>, vector<1x16xf32>,
        %parallel_loop3A_489 = arith.constant 2 : i32
        %parallel_loop3A_490 = arith.addi %parallel_loop3A_248, %parallel_loop3A_489 : i32
        %parallel_loop3A_491 = arith.constant 0 : i32
        %parallel_loop3A_492 = arith.constant 0 : i32
        %parallel_loop3A_493 = tpu.memref_slice %arg6[%parallel_loop3A_204, %parallel_loop3A_491, %parallel_loop3A_492] : memref<2x400x64xf32, #tpu.memory_space<vmem>> -> memref<1x400x64xf32, #tpu.memory_space<vmem>>
        %parallel_loop3A_494 = tpu.memref_squeeze %parallel_loop3A_493 : memref<1x400x64xf32, #tpu.memory_space<vmem>> -> memref<400x64xf32, #tpu.memory_space<vmem>>
        %parallel_loop3A_495 = arith.index_cast %parallel_loop3A_490 : i32 to index
        %parallel_loop3A_496 = arith.constant 32 : index
        %parallel_loop3A_497 = tpu.vector_load %parallel_loop3A_494[%parallel_loop3A_495, %parallel_loop3A_496] {strides = array<i32>} : memref<400x64xf32, #tpu.memory_space<vmem>>, vector<1x16xf32>,
        %parallel_loop3A_498 = vector.shape_cast %parallel_loop3A_497 : vector<1x16xf32> to vector<16xf32>
        %parallel_loop3A_499 = arith.constant 8.000000e+00 : f32
        %parallel_loop3A_500 = vector.broadcast %parallel_loop3A_499 : f32 to vector<16xf32>
        %parallel_loop3A_501 = arith.mulf %parallel_loop3A_498, %parallel_loop3A_500 : vector<16xf32>
        %parallel_loop3A_502 = arith.constant 2 : i32
        %parallel_loop3A_503 = arith.addi %parallel_loop3A_248, %parallel_loop3A_502 : i32
        %parallel_loop3A_504 = arith.constant 0 : i32
        %parallel_loop3A_505 = arith.constant 0 : i32
        %parallel_loop3A_506 = tpu.memref_slice %arg6[%parallel_loop3A_204, %parallel_loop3A_504, %parallel_loop3A_505] : memref<2x400x64xf32, #tpu.memory_space<vmem>> -> memref<1x400x64xf32, #tpu.memory_space<vmem>>
        %parallel_loop3A_507 = tpu.memref_squeeze %parallel_loop3A_506 : memref<1x400x64xf32, #tpu.memory_space<vmem>> -> memref<400x64xf32, #tpu.memory_space<vmem>>
        %parallel_loop3A_508 = arith.index_cast %parallel_loop3A_503 : i32 to index
        %parallel_loop3A_509 = arith.constant 32 : index
        %parallel_loop3A_510 = tpu.vector_load %parallel_loop3A_507[%parallel_loop3A_508, %parallel_loop3A_509] {strides = array<i32>} : memref<400x64xf32, #tpu.memory_space<vmem>>, vector<1x16xf32>,
        %parallel_loop3A_511 = vector.shape_cast %parallel_loop3A_510 : vector<1x16xf32> to vector<16xf32>
        %parallel_loop3A_512 = vector.shape_cast %parallel_loop3A_501 : vector<16xf32> to vector<1x16xf32>
        tpu.vector_store %parallel_loop3A_507[%parallel_loop3A_508, %parallel_loop3A_509], %parallel_loop3A_512 {strides = array<i32>} : memref<400x64xf32, #tpu.memory_space<vmem>>, vector<1x16xf32>,
        %parallel_loop3A_513 = arith.constant 2 : i32
        %parallel_loop3A_514 = arith.addi %parallel_loop3A_248, %parallel_loop3A_513 : i32
        %parallel_loop3A_515 = arith.constant 0 : i32
        %parallel_loop3A_516 = arith.constant 0 : i32
        %parallel_loop3A_517 = tpu.memref_slice %arg6[%parallel_loop3A_204, %parallel_loop3A_515, %parallel_loop3A_516] : memref<2x400x64xf32, #tpu.memory_space<vmem>> -> memref<1x400x64xf32, #tpu.memory_space<vmem>>
        %parallel_loop3A_518 = tpu.memref_squeeze %parallel_loop3A_517 : memref<1x400x64xf32, #tpu.memory_space<vmem>> -> memref<400x64xf32, #tpu.memory_space<vmem>>
        %parallel_loop3A_519 = arith.index_cast %parallel_loop3A_514 : i32 to index
        %parallel_loop3A_520 = arith.constant 48 : index
        %parallel_loop3A_521 = tpu.vector_load %parallel_loop3A_518[%parallel_loop3A_519, %parallel_loop3A_520] {strides = array<i32>} : memref<400x64xf32, #tpu.memory_space<vmem>>, vector<1x16xf32>,
        %parallel_loop3A_522 = vector.shape_cast %parallel_loop3A_521 : vector<1x16xf32> to vector<16xf32>
        %parallel_loop3A_523 = arith.constant 8.000000e+00 : f32
        %parallel_loop3A_524 = vector.broadcast %parallel_loop3A_523 : f32 to vector<16xf32>
        %parallel_loop3A_525 = arith.mulf %parallel_loop3A_522, %parallel_loop3A_524 : vector<16xf32>
        %parallel_loop3A_526 = arith.constant 2 : i32
        %parallel_loop3A_527 = arith.addi %parallel_loop3A_248, %parallel_loop3A_526 : i32
        %parallel_loop3A_528 = arith.constant 0 : i32
        %parallel_loop3A_529 = arith.constant 0 : i32
        %parallel_loop3A_530 = tpu.memref_slice %arg6[%parallel_loop3A_204, %parallel_loop3A_528, %parallel_loop3A_529] : memref<2x400x64xf32, #tpu.memory_space<vmem>> -> memref<1x400x64xf32, #tpu.memory_space<vmem>>
        %parallel_loop3A_531 = tpu.memref_squeeze %parallel_loop3A_530 : memref<1x400x64xf32, #tpu.memory_space<vmem>> -> memref<400x64xf32, #tpu.memory_space<vmem>>
        %parallel_loop3A_532 = arith.index_cast %parallel_loop3A_527 : i32 to index
        %parallel_loop3A_533 = arith.constant 48 : index
        %parallel_loop3A_534 = tpu.vector_load %parallel_loop3A_531[%parallel_loop3A_532, %parallel_loop3A_533] {strides = array<i32>} : memref<400x64xf32, #tpu.memory_space<vmem>>, vector<1x16xf32>,
        %parallel_loop3A_535 = vector.shape_cast %parallel_loop3A_534 : vector<1x16xf32> to vector<16xf32>
        %parallel_loop3A_536 = vector.shape_cast %parallel_loop3A_525 : vector<16xf32> to vector<1x16xf32>
        tpu.vector_store %parallel_loop3A_531[%parallel_loop3A_532, %parallel_loop3A_533], %parallel_loop3A_536 {strides = array<i32>} : memref<400x64xf32, #tpu.memory_space<vmem>>, vector<1x16xf32>,
        %parallel_loop3A_537 = arith.constant 3 : i32
        %parallel_loop3A_538 = arith.addi %parallel_loop3A_248, %parallel_loop3A_537 : i32
        %parallel_loop3A_539 = arith.constant 0 : i32
        %parallel_loop3A_540 = arith.constant 0 : i32
        %parallel_loop3A_541 = tpu.memref_slice %arg6[%parallel_loop3A_204, %parallel_loop3A_539, %parallel_loop3A_540] : memref<2x400x64xf32, #tpu.memory_space<vmem>> -> memref<1x400x64xf32, #tpu.memory_space<vmem>>
        %parallel_loop3A_542 = tpu.memref_squeeze %parallel_loop3A_541 : memref<1x400x64xf32, #tpu.memory_space<vmem>> -> memref<400x64xf32, #tpu.memory_space<vmem>>
        %parallel_loop3A_543 = arith.index_cast %parallel_loop3A_538 : i32 to index
        %parallel_loop3A_544 = arith.constant 0 : index
        %parallel_loop3A_545 = tpu.vector_load %parallel_loop3A_542[%parallel_loop3A_543, %parallel_loop3A_544] {strides = array<i32>} : memref<400x64xf32, #tpu.memory_space<vmem>>, vector<1x16xf32>,
        %parallel_loop3A_546 = vector.shape_cast %parallel_loop3A_545 : vector<1x16xf32> to vector<16xf32>
        %parallel_loop3A_547 = arith.constant 8.000000e+00 : f32
        %parallel_loop3A_548 = vector.broadcast %parallel_loop3A_547 : f32 to vector<16xf32>
        %parallel_loop3A_549 = arith.mulf %parallel_loop3A_546, %parallel_loop3A_548 : vector<16xf32>
        %parallel_loop3A_550 = arith.constant 3 : i32
        %parallel_loop3A_551 = arith.addi %parallel_loop3A_248, %parallel_loop3A_550 : i32
        %parallel_loop3A_552 = arith.constant 0 : i32
        %parallel_loop3A_553 = arith.constant 0 : i32
        %parallel_loop3A_554 = tpu.memref_slice %arg6[%parallel_loop3A_204, %parallel_loop3A_552, %parallel_loop3A_553] : memref<2x400x64xf32, #tpu.memory_space<vmem>> -> memref<1x400x64xf32, #tpu.memory_space<vmem>>
        %parallel_loop3A_555 = tpu.memref_squeeze %parallel_loop3A_554 : memref<1x400x64xf32, #tpu.memory_space<vmem>> -> memref<400x64xf32, #tpu.memory_space<vmem>>
        %parallel_loop3A_556 = arith.index_cast %parallel_loop3A_551 : i32 to index
        %parallel_loop3A_557 = arith.constant 0 : index
        %parallel_loop3A_558 = tpu.vector_load %parallel_loop3A_555[%parallel_loop3A_556, %parallel_loop3A_557] {strides = array<i32>} : memref<400x64xf32, #tpu.memory_space<vmem>>, vector<1x16xf32>,
        %parallel_loop3A_559 = vector.shape_cast %parallel_loop3A_558 : vector<1x16xf32> to vector<16xf32>
        %parallel_loop3A_560 = vector.shape_cast %parallel_loop3A_549 : vector<16xf32> to vector<1x16xf32>
        tpu.vector_store %parallel_loop3A_555[%parallel_loop3A_556, %parallel_loop3A_557], %parallel_loop3A_560 {strides = array<i32>} : memref<400x64xf32, #tpu.memory_space<vmem>>, vector<1x16xf32>,
        %parallel_loop3A_561 = arith.constant 3 : i32
        %parallel_loop3A_562 = arith.addi %parallel_loop3A_248, %parallel_loop3A_561 : i32
        %parallel_loop3A_563 = arith.constant 0 : i32
        %parallel_loop3A_564 = arith.constant 0 : i32
        %parallel_loop3A_565 = tpu.memref_slice %arg6[%parallel_loop3A_204, %parallel_loop3A_563, %parallel_loop3A_564] : memref<2x400x64xf32, #tpu.memory_space<vmem>> -> memref<1x400x64xf32, #tpu.memory_space<vmem>>
        %parallel_loop3A_566 = tpu.memref_squeeze %parallel_loop3A_565 : memref<1x400x64xf32, #tpu.memory_space<vmem>> -> memref<400x64xf32, #tpu.memory_space<vmem>>
        %parallel_loop3A_567 = arith.index_cast %parallel_loop3A_562 : i32 to index
        %parallel_loop3A_568 = arith.constant 16 : index
        %parallel_loop3A_569 = tpu.vector_load %parallel_loop3A_566[%parallel_loop3A_567, %parallel_loop3A_568] {strides = array<i32>} : memref<400x64xf32, #tpu.memory_space<vmem>>, vector<1x16xf32>,
        %parallel_loop3A_570 = vector.shape_cast %parallel_loop3A_569 : vector<1x16xf32> to vector<16xf32>
        %parallel_loop3A_571 = arith.constant 8.000000e+00 : f32
        %parallel_loop3A_572 = vector.broadcast %parallel_loop3A_571 : f32 to vector<16xf32>
        %parallel_loop3A_573 = arith.mulf %parallel_loop3A_570, %parallel_loop3A_572 : vector<16xf32>
        %parallel_loop3A_574 = arith.constant 3 : i32
        %parallel_loop3A_575 = arith.addi %parallel_loop3A_248, %parallel_loop3A_574 : i32
        %parallel_loop3A_576 = arith.constant 0 : i32
        %parallel_loop3A_577 = arith.constant 0 : i32
        %parallel_loop3A_578 = tpu.memref_slice %arg6[%parallel_loop3A_204, %parallel_loop3A_576, %parallel_loop3A_577] : memref<2x400x64xf32, #tpu.memory_space<vmem>> -> memref<1x400x64xf32, #tpu.memory_space<vmem>>
        %parallel_loop3A_579 = tpu.memref_squeeze %parallel_loop3A_578 : memref<1x400x64xf32, #tpu.memory_space<vmem>> -> memref<400x64xf32, #tpu.memory_space<vmem>>
        %parallel_loop3A_580 = arith.index_cast %parallel_loop3A_575 : i32 to index
        %parallel_loop3A_581 = arith.constant 16 : index
        %parallel_loop3A_582 = tpu.vector_load %parallel_loop3A_579[%parallel_loop3A_580, %parallel_loop3A_581] {strides = array<i32>} : memref<400x64xf32, #tpu.memory_space<vmem>>, vector<1x16xf32>,
        %parallel_loop3A_583 = vector.shape_cast %parallel_loop3A_582 : vector<1x16xf32> to vector<16xf32>
        %parallel_loop3A_584 = vector.shape_cast %parallel_loop3A_573 : vector<16xf32> to vector<1x16xf32>
        tpu.vector_store %parallel_loop3A_579[%parallel_loop3A_580, %parallel_loop3A_581], %parallel_loop3A_584 {strides = array<i32>} : memref<400x64xf32, #tpu.memory_space<vmem>>, vector<1x16xf32>,
        %parallel_loop3A_585 = arith.constant 3 : i32
        %parallel_loop3A_586 = arith.addi %parallel_loop3A_248, %parallel_loop3A_585 : i32
        %parallel_loop3A_587 = arith.constant 0 : i32
        %parallel_loop3A_588 = arith.constant 0 : i32
        %parallel_loop3A_589 = tpu.memref_slice %arg6[%parallel_loop3A_204, %parallel_loop3A_587, %parallel_loop3A_588] : memref<2x400x64xf32, #tpu.memory_space<vmem>> -> memref<1x400x64xf32, #tpu.memory_space<vmem>>
        %parallel_loop3A_590 = tpu.memref_squeeze %parallel_loop3A_589 : memref<1x400x64xf32, #tpu.memory_space<vmem>> -> memref<400x64xf32, #tpu.memory_space<vmem>>
        %parallel_loop3A_591 = arith.index_cast %parallel_loop3A_586 : i32 to index
        %parallel_loop3A_592 = arith.constant 32 : index
        %parallel_loop3A_593 = tpu.vector_load %parallel_loop3A_590[%parallel_loop3A_591, %parallel_loop3A_592] {strides = array<i32>} : memref<400x64xf32, #tpu.memory_space<vmem>>, vector<1x16xf32>,
        %parallel_loop3A_594 = vector.shape_cast %parallel_loop3A_593 : vector<1x16xf32> to vector<16xf32>
        %parallel_loop3A_595 = arith.constant 8.000000e+00 : f32
        %parallel_loop3A_596 = vector.broadcast %parallel_loop3A_595 : f32 to vector<16xf32>
        %parallel_loop3A_597 = arith.mulf %parallel_loop3A_594, %parallel_loop3A_596 : vector<16xf32>
        %parallel_loop3A_598 = arith.constant 3 : i32
        %parallel_loop3A_599 = arith.addi %parallel_loop3A_248, %parallel_loop3A_598 : i32
        %parallel_loop3A_600 = arith.constant 0 : i32
        %parallel_loop3A_601 = arith.constant 0 : i32
        %parallel_loop3A_602 = tpu.memref_slice %arg6[%parallel_loop3A_204, %parallel_loop3A_600, %parallel_loop3A_601] : memref<2x400x64xf32, #tpu.memory_space<vmem>> -> memref<1x400x64xf32, #tpu.memory_space<vmem>>
        %parallel_loop3A_603 = tpu.memref_squeeze %parallel_loop3A_602 : memref<1x400x64xf32, #tpu.memory_space<vmem>> -> memref<400x64xf32, #tpu.memory_space<vmem>>
        %parallel_loop3A_604 = arith.index_cast %parallel_loop3A_599 : i32 to index
        %parallel_loop3A_605 = arith.constant 32 : index
        %parallel_loop3A_606 = tpu.vector_load %parallel_loop3A_603[%parallel_loop3A_604, %parallel_loop3A_605] {strides = array<i32>} : memref<400x64xf32, #tpu.memory_space<vmem>>, vector<1x16xf32>,
        %parallel_loop3A_607 = vector.shape_cast %parallel_loop3A_606 : vector<1x16xf32> to vector<16xf32>
        %parallel_loop3A_608 = vector.shape_cast %parallel_loop3A_597 : vector<16xf32> to vector<1x16xf32>
        tpu.vector_store %parallel_loop3A_603[%parallel_loop3A_604, %parallel_loop3A_605], %parallel_loop3A_608 {strides = array<i32>} : memref<400x64xf32, #tpu.memory_space<vmem>>, vector<1x16xf32>,
        %parallel_loop3A_609 = arith.constant 3 : i32
        %parallel_loop3A_610 = arith.addi %parallel_loop3A_248, %parallel_loop3A_609 : i32
        %parallel_loop3A_611 = arith.constant 0 : i32
        %parallel_loop3A_612 = arith.constant 0 : i32
        %parallel_loop3A_613 = tpu.memref_slice %arg6[%parallel_loop3A_204, %parallel_loop3A_611, %parallel_loop3A_612] : memref<2x400x64xf32, #tpu.memory_space<vmem>> -> memref<1x400x64xf32, #tpu.memory_space<vmem>>
        %parallel_loop3A_614 = tpu.memref_squeeze %parallel_loop3A_613 : memref<1x400x64xf32, #tpu.memory_space<vmem>> -> memref<400x64xf32, #tpu.memory_space<vmem>>
        %parallel_loop3A_615 = arith.index_cast %parallel_loop3A_610 : i32 to index
        %parallel_loop3A_616 = arith.constant 48 : index
        %parallel_loop3A_617 = tpu.vector_load %parallel_loop3A_614[%parallel_loop3A_615, %parallel_loop3A_616] {strides = array<i32>} : memref<400x64xf32, #tpu.memory_space<vmem>>, vector<1x16xf32>,
        %parallel_loop3A_618 = vector.shape_cast %parallel_loop3A_617 : vector<1x16xf32> to vector<16xf32>
        %parallel_loop3A_619 = arith.constant 8.000000e+00 : f32
        %parallel_loop3A_620 = vector.broadcast %parallel_loop3A_619 : f32 to vector<16xf32>
        %parallel_loop3A_621 = arith.mulf %parallel_loop3A_618, %parallel_loop3A_620 : vector<16xf32>
        %parallel_loop3A_622 = arith.constant 3 : i32
        %parallel_loop3A_623 = arith.addi %parallel_loop3A_248, %parallel_loop3A_622 : i32
        %parallel_loop3A_624 = arith.constant 0 : i32
        %parallel_loop3A_625 = arith.constant 0 : i32
        %parallel_loop3A_626 = tpu.memref_slice %arg6[%parallel_loop3A_204, %parallel_loop3A_624, %parallel_loop3A_625] : memref<2x400x64xf32, #tpu.memory_space<vmem>> -> memref<1x400x64xf32, #tpu.memory_space<vmem>>
        %parallel_loop3A_627 = tpu.memref_squeeze %parallel_loop3A_626 : memref<1x400x64xf32, #tpu.memory_space<vmem>> -> memref<400x64xf32, #tpu.memory_space<vmem>>
        %parallel_loop3A_628 = arith.index_cast %parallel_loop3A_623 : i32 to index
        %parallel_loop3A_629 = arith.constant 48 : index
        %parallel_loop3A_630 = tpu.vector_load %parallel_loop3A_627[%parallel_loop3A_628, %parallel_loop3A_629] {strides = array<i32>} : memref<400x64xf32, #tpu.memory_space<vmem>>, vector<1x16xf32>,
        %parallel_loop3A_631 = vector.shape_cast %parallel_loop3A_630 : vector<1x16xf32> to vector<16xf32>
        %parallel_loop3A_632 = vector.shape_cast %parallel_loop3A_621 : vector<16xf32> to vector<1x16xf32>
        tpu.vector_store %parallel_loop3A_627[%parallel_loop3A_628, %parallel_loop3A_629], %parallel_loop3A_632 {strides = array<i32>} : memref<400x64xf32, #tpu.memory_space<vmem>>, vector<1x16xf32>,
      } {sc.loop_unroll_factor = 2 : i64, sc.parallel_access}
      %mul3A_205 = arith.constant 2 : i32
      %mul3A_206 = arith.muli %add3A_173, %mul3A_205 : i32
      %add3A_207 = arith.addi %mul3A_4, %mul3A_206 : i32
      %add3A_208 = arith.constant 0 : i32
      %add3A_209 = arith.addi %add3A_207, %add3A_208 : i32
      %dma_start3A_210 = arith.constant 1 : i32
      %dma_start3A_211 = arith.constant 0 : i32
      %dma_start3A_212 = arith.constant 0 : i32
      %dma_start3A_213 = tpu.memref_slice %arg6[%dma_start3A_210, %dma_start3A_211, %dma_start3A_212] : memref<2x400x64xf32, #tpu.memory_space<vmem>> -> memref<1x200x64xf32, #tpu.memory_space<vmem>>
      %dma_start3A_214 = tpu.memref_squeeze %dma_start3A_213 : memref<1x200x64xf32, #tpu.memory_space<vmem>> -> memref<200x64xf32, #tpu.memory_space<vmem>>
      %dma_start3A_215 = arith.constant 0 : i32
      %dma_start3A_216 = arith.constant 0 : i32
      %dma_start3A_217 = tpu.memref_slice %arg4[%add3A_209, %dma_start3A_215, %dma_start3A_216] : memref<4096x200x64xf32, #tpu.memory_space<hbm>> -> memref<1x200x64xf32, #tpu.memory_space<hbm>>
      %dma_start3A_218 = tpu.memref_squeeze %dma_start3A_217 : memref<1x200x64xf32, #tpu.memory_space<hbm>> -> memref<200x64xf32, #tpu.memory_space<hbm>>
      %dma_start3A_219 = arith.constant 0 : i32
      %dma_start3A_220 = arith.constant 0 : i32
      %dma_start3A_221 = tpu.memref_slice %arg4[%add3A_209, %dma_start3A_219, %dma_start3A_220] : memref<4096x200x64xf32, #tpu.memory_space<hbm>> -> memref<1x200x64xf32, #tpu.memory_space<hbm>>
      %dma_start3A_222 = tpu.memref_squeeze %dma_start3A_221 : memref<1x200x64xf32, #tpu.memory_space<hbm>> -> memref<200x64xf32, #tpu.memory_space<hbm>>
      %dma_start3A_223 = arith.constant 0 : i32
      %dma_start3A_224 = arith.constant 0 : i32
      %dma_start3A_225 = tpu.memref_slice %arg6[%dma_start3A_210, %dma_start3A_223, %dma_start3A_224] : memref<2x400x64xf32, #tpu.memory_space<vmem>> -> memref<1x200x64xf32, #tpu.memory_space<vmem>>
      %dma_start3A_226 = tpu.memref_squeeze %dma_start3A_225 : memref<1x200x64xf32, #tpu.memory_space<vmem>> -> memref<200x64xf32, #tpu.memory_space<vmem>>
      tpu.enqueue_dma source(%dma_start3A_226 : memref<200x64xf32, #tpu.memory_space<vmem>>) target(%dma_start3A_222 : memref<200x64xf32, #tpu.memory_space<hbm>>) target_semaphore(%arg10 : memref<!tpu.dma_semaphore, #tpu.memory_space<semaphore_mem>>)
      %add3A_227 = arith.constant 1 : i32
      %add3A_228 = arith.addi %add3A_207, %add3A_227 : i32
      %dma_start3A_229 = arith.constant 1 : i32
      %dma_start3A_230 = arith.constant 200 : i32
      %dma_start3A_231 = arith.constant 0 : i32
      %dma_start3A_232 = tpu.memref_slice %arg6[%dma_start3A_229, %dma_start3A_230, %dma_start3A_231] : memref<2x400x64xf32, #tpu.memory_space<vmem>> -> memref<1x200x64xf32, #tpu.memory_space<vmem>>
      %dma_start3A_233 = tpu.memref_squeeze %dma_start3A_232 : memref<1x200x64xf32, #tpu.memory_space<vmem>> -> memref<200x64xf32, #tpu.memory_space<vmem>>
      %dma_start3A_234 = arith.constant 0 : i32
      %dma_start3A_235 = arith.constant 0 : i32
      %dma_start3A_236 = tpu.memref_slice %arg4[%add3A_228, %dma_start3A_234, %dma_start3A_235] : memref<4096x200x64xf32, #tpu.memory_space<hbm>> -> memref<1x200x64xf32, #tpu.memory_space<hbm>>
      %dma_start3A_237 = tpu.memref_squeeze %dma_start3A_236 : memref<1x200x64xf32, #tpu.memory_space<hbm>> -> memref<200x64xf32, #tpu.memory_space<hbm>>
      %dma_start3A_238 = arith.constant 0 : i32
      %dma_start3A_239 = arith.constant 0 : i32
      %dma_start3A_240 = tpu.memref_slice %arg4[%add3A_228, %dma_start3A_238, %dma_start3A_239] : memref<4096x200x64xf32, #tpu.memory_space<hbm>> -> memref<1x200x64xf32, #tpu.memory_space<hbm>>
      %dma_start3A_241 = tpu.memref_squeeze %dma_start3A_240 : memref<1x200x64xf32, #tpu.memory_space<hbm>> -> memref<200x64xf32, #tpu.memory_space<hbm>>
      %dma_start3A_242 = arith.constant 200 : i32
      %dma_start3A_243 = arith.constant 0 : i32
      %dma_start3A_244 = tpu.memref_slice %arg6[%dma_start3A_229, %dma_start3A_242, %dma_start3A_243] : memref<2x400x64xf32, #tpu.memory_space<vmem>> -> memref<1x200x64xf32, #tpu.memory_space<vmem>>
      %dma_start3A_245 = tpu.memref_squeeze %dma_start3A_244 : memref<1x200x64xf32, #tpu.memory_space<vmem>> -> memref<200x64xf32, #tpu.memory_space<vmem>>
      tpu.enqueue_dma source(%dma_start3A_245 : memref<200x64xf32, #tpu.memory_space<vmem>>) target(%dma_start3A_241 : memref<200x64xf32, #tpu.memory_space<hbm>>) target_semaphore(%arg10 : memref<!tpu.dma_semaphore, #tpu.memory_space<semaphore_mem>>)
    }
    %scan3A_62 = arith.constant 32 : i32
    %dma_wait3A = arith.constant 1 : i32
    %dma_wait3A_63 = arith.constant 0 : i32
    %dma_wait3A_64 = arith.constant 0 : i32
    %dma_wait3A_65 = arith.constant 0 : i32
    %dma_wait3A_66 = tpu.memref_slice %arg6[%dma_wait3A, %dma_wait3A_64, %dma_wait3A_65] : memref<2x400x64xf32, #tpu.memory_space<vmem>> -> memref<1x200x64xf32, #tpu.memory_space<vmem>>
    %dma_wait3A_67 = tpu.memref_squeeze %dma_wait3A_66 : memref<1x200x64xf32, #tpu.memory_space<vmem>> -> memref<200x64xf32, #tpu.memory_space<vmem>>
    %dma_wait3A_68 = arith.constant 0 : i32
    %dma_wait3A_69 = arith.constant 0 : i32
    %dma_wait3A_70 = tpu.memref_slice %arg4[%dma_wait3A_63, %dma_wait3A_68, %dma_wait3A_69] : memref<4096x200x64xf32, #tpu.memory_space<hbm>> -> memref<1x200x64xf32, #tpu.memory_space<hbm>>
    %dma_wait3A_71 = tpu.memref_squeeze %dma_wait3A_70 : memref<1x200x64xf32, #tpu.memory_space<hbm>> -> memref<200x64xf32, #tpu.memory_space<hbm>>
    %dma_wait3A_72 = arith.constant 0 : i32
    %dma_wait3A_73 = arith.constant 0 : i32
    %dma_wait3A_74 = tpu.memref_slice %arg4[%dma_wait3A_63, %dma_wait3A_72, %dma_wait3A_73] : memref<4096x200x64xf32, #tpu.memory_space<hbm>> -> memref<1x200x64xf32, #tpu.memory_space<hbm>>
    %dma_wait3A_75 = tpu.memref_squeeze %dma_wait3A_74 : memref<1x200x64xf32, #tpu.memory_space<hbm>> -> memref<200x64xf32, #tpu.memory_space<hbm>>
    %dma_wait3A_76 = arith.constant 0 : i32
    %dma_wait3A_77 = arith.constant 0 : i32
    %dma_wait3A_78 = tpu.memref_slice %arg6[%dma_wait3A, %dma_wait3A_76, %dma_wait3A_77] : memref<2x400x64xf32, #tpu.memory_space<vmem>> -> memref<1x200x64xf32, #tpu.memory_space<vmem>>
    %dma_wait3A_79 = tpu.memref_squeeze %dma_wait3A_78 : memref<1x200x64xf32, #tpu.memory_space<vmem>> -> memref<200x64xf32, #tpu.memory_space<vmem>>
    tpu.wait_dma2 semaphore(%arg10 : memref<!tpu.dma_semaphore, #tpu.memory_space<semaphore_mem>>) src(%dma_wait3A_79 : memref<200x64xf32, #tpu.memory_space<vmem>>) dst(%dma_wait3A_75 : memref<200x64xf32, #tpu.memory_space<hbm>>)
    %dma_wait3A_80 = arith.constant 1 : i32
    %dma_wait3A_81 = arith.constant 0 : i32
    %dma_wait3A_82 = arith.constant 200 : i32
    %dma_wait3A_83 = arith.constant 0 : i32
    %dma_wait3A_84 = tpu.memref_slice %arg6[%dma_wait3A_80, %dma_wait3A_82, %dma_wait3A_83] : memref<2x400x64xf32, #tpu.memory_space<vmem>> -> memref<1x200x64xf32, #tpu.memory_space<vmem>>
    %dma_wait3A_85 = tpu.memref_squeeze %dma_wait3A_84 : memref<1x200x64xf32, #tpu.memory_space<vmem>> -> memref<200x64xf32, #tpu.memory_space<vmem>>
    %dma_wait3A_86 = arith.constant 0 : i32
    %dma_wait3A_87 = arith.constant 0 : i32
    %dma_wait3A_88 = tpu.memref_slice %arg4[%dma_wait3A_81, %dma_wait3A_86, %dma_wait3A_87] : memref<4096x200x64xf32, #tpu.memory_space<hbm>> -> memref<1x200x64xf32, #tpu.memory_space<hbm>>
    %dma_wait3A_89 = tpu.memref_squeeze %dma_wait3A_88 : memref<1x200x64xf32, #tpu.memory_space<hbm>> -> memref<200x64xf32, #tpu.memory_space<hbm>>
    %dma_wait3A_90 = arith.constant 0 : i32
    %dma_wait3A_91 = arith.constant 0 : i32
    %dma_wait3A_92 = tpu.memref_slice %arg4[%dma_wait3A_81, %dma_wait3A_90, %dma_wait3A_91] : memref<4096x200x64xf32, #tpu.memory_space<hbm>> -> memref<1x200x64xf32, #tpu.memory_space<hbm>>
    %dma_wait3A_93 = tpu.memref_squeeze %dma_wait3A_92 : memref<1x200x64xf32, #tpu.memory_space<hbm>> -> memref<200x64xf32, #tpu.memory_space<hbm>>
    %dma_wait3A_94 = arith.constant 200 : i32
    %dma_wait3A_95 = arith.constant 0 : i32
    %dma_wait3A_96 = tpu.memref_slice %arg6[%dma_wait3A_80, %dma_wait3A_94, %dma_wait3A_95] : memref<2x400x64xf32, #tpu.memory_space<vmem>> -> memref<1x200x64xf32, #tpu.memory_space<vmem>>
    %dma_wait3A_97 = tpu.memref_squeeze %dma_wait3A_96 : memref<1x200x64xf32, #tpu.memory_space<vmem>> -> memref<200x64xf32, #tpu.memory_space<vmem>>
    tpu.wait_dma2 semaphore(%arg10 : memref<!tpu.dma_semaphore, #tpu.memory_space<semaphore_mem>>) src(%dma_wait3A_97 : memref<200x64xf32, #tpu.memory_space<vmem>>) dst(%dma_wait3A_93 : memref<200x64xf32, #tpu.memory_space<hbm>>)
    return
  }
}

</mosaic_0001>

<sc_bundles>
// kernel: _embed.3.cloned.1.call-start
scs
__scs_entry_jumppad:
0x0: {  	(pc) =	sbr.rel $0x88, $3  }
0x1: {  	(tag) =	ssettag $0x0;
	lr =	simm.s32 $0x1  }
0x2: {  	[smem:$0x3F9F] =	sst lr;
	_ =	strace $0xD0000000  }
0x3: {  	_ = 	snop  }
0x4: {  	_ = 	snop  }
0x5: {  	_ = 	snop  }
0x6: {  	_ = 	snop  }
0x7: {  	_ = 	snop  }
__scs_overlays_trampoline_lowered:
0x8: {  	[smem:$0x3FAE] =	sst s0  }
0x9: {  	[smem:$0x3FAF] =	sst s1  }
0xa: {  	[smem:$0x3FB0] =	sst s2  }
0xb: {  	[smem:$0x3FB1] =	sst s3  }
0xc: {  	[smem:$0x3FB2] =	sst s4  }
0xd: {  	[smem:$0x3FB3] =	sst s5  }
0xe: {  	[smem:$0x3FB4] =	sst s6  }
0xf: {  	[smem:$0x3FB5] =	sst s7  }
0x10: {  	[smem:$0x3FB6] =	sst s8  }
0x11: {  	[smem:$0x3FB7] =	sst s9;
	s0 =	simm.s32 @!p0 $0x0  }
0x12: {  	s1 =	sld [smem:$0x3F9D];
	s0 =	simm.s32 @p0 $0x1  }
0x13: {  	[smem:$0x3FB8] =	sst s0;
	s0 =	simm.s32 @!p1 $0x0  }
0x14: {  	s2 =	sld [smem:$0x3F9C];
	s0 =	simm.s32 @p1 $0x1  }
0x15: {  	[smem:$0x3FB9] =	sst s0;
	s0 =	simm.s32 @!p2 $0x0  }
0x16: {  	s3 =	sld [smem:$0x3FDB];
	s0 =	simm.s32 @p2 $0x1  }
0x17: {  	s4 =	simm.s32 $0x1BF5;
	[smem:$0x3FBB] =	sst s0  }
0x18: {  	s0 =	sld [smem:$0x3F9E];
	_ =	swait.ge [sflag:s4], $0x0  }
0x19: {  	s7 =	sld [smem:$0x3F9F]  }
0x1a: {  	s8 =	sadd.s32 $0xFFFFE003, lr  }
0x1b: {  	s9 =	sadd.s32 $0xFFFFFEF7, lr;
	s5 =	simm.s32 $0xFFFFFFFF;
	p2 =	slt.u32 s8, $0xFFFFF086  }
0x1c: {  	p1 =	slt.u32 s9, $0xF7A;
	s5 =	simm.s32 @!p2 $0x0  }
0x1d: {  	s5 =	simm.s32 @p1 $0x1;
	p0 =	seq.s32 s7, s2  }
0x1e: {  	s7 =	smul.u32 @!p0 $0xF7A, s2;
	p2 =	seq.s32 @!p0 s5, $0x0  }
0x1f: {  	s9 =	smul.u32 $0xF7A, s1;
	s8 =	simm.s32 @!p0 $0x1BF5;
	p2 =	por !p2, p0  }
0x20: {  	[sflag:s8] =	ssyncset.s32 @!p0 $0xFFFFF086;
	s6 =	sadd.s32 @!p0 s3, s7;
	s7 =	simm.s32 @!p0 $0x108  }
0x21: {  	s3 =	sadd.s32 s3, s9;
	s6 =	sadd.s32 @!p0 $0x88, s6;
	s7 =	simm.s32 @p2 $0x1082  }
0x22: {  	[simem:s7], [sflag:s8] =	dma.local @!p0 [hbm:s6], $0xF7A  }
0x23: {  	s9 =	sor.u32 $0xD0000000, s2;
	s6 =	simm.s32 $0x108;
	_ =	swait.ge @!p0 [sflag:s8], $0x0  }
0x24: {  	s3 =	sadd.s32 $0x88, s3;
	s6 =	simm.s32 @!p1 $0x1082;
	[sflag:s4] =	ssyncset.s32 $0xFFFFF086  }
0x25: {  	[simem:s6], [sflag:s4] =	dma.local [hbm:s3], $0xF7A  }
0x26: {  	[smem:$0x3F9F] =	sst s1;
	(tag) =	ssettag s2;
	_ =	strace s9  }
0x27: {  	s1 =	sld [smem:$0x3FAF]  }
0x28: {  	s2 =	sld [smem:$0x3FB0]  }
0x29: {  	s4 =	sld [smem:$0x3FB2]  }
0x2a: {  	p0 =	seq.s32 s5, $0x0;
	s5 =	sld [smem:$0x3FB3]  }
0x2b: {  	s6 =	sld [smem:$0x3FB4]  }
0x2c: {  	s7 =	sld [smem:$0x3FB5]  }
0x2d: {  	s3 =	simm.s32 $0x108;
	s8 =	sld [smem:$0x3FB6]  }
0x2e: {  	s3 =	simm.s32 @!p0 $0x1082;
	s9 =	sld [smem:$0x3FB7]  }
0x2f: {  	lr =	sadd.s32 s0, s3;
	s0 =	sld [smem:$0x3FAE]  }
0x30: {  	s3 =	sld [smem:$0x3FB1]  }
0x31: {  	[smem:$0x3FBA] =	sst s10  }
0x32: {  	s10 =	sld [smem:$0x3FB8];
	_ =	sdelay $0x3  }
0x33: {  	p0 =	seq.s32 s10, $0x1;
	s10 =	sld [smem:$0x3FBA];
	_ =	sdelay $0x3  }
0x34: {  	[smem:$0x3FBA] =	sst s10  }
0x35: {  	s10 =	sld [smem:$0x3FB9];
	_ =	sdelay $0x3  }
0x36: {  	p1 =	seq.s32 s10, $0x1;
	s10 =	sld [smem:$0x3FBA];
	_ =	sdelay $0x3  }
0x37: {  	[smem:$0x3FBA] =	sst s10  }
0x38: {  	s10 =	sld [smem:$0x3FBB]  }
0x39: {  	_ = 	snop;
	(pc) =	sbr.ind lr, $3  }
0x3a: {  	_ = 	snop  }
0x3b: {  	_ = 	snop  }
0x3c: {  	p2 =	seq.s32 s10, $0x1;
	s10 =	sld [smem:$0x3FBA]  }
0x3d: {  	_ =	shalt  }
0x3e: {  	_ =	shalt  }
0x3f: {  	_ =	shalt  }
0x40: {  	_ =	shalt  }
0x41: {  	_ =	shalt  }
0x42: {  	_ =	shalt  }
0x43: {  	_ =	shalt  }
0x44: {  	_ =	shalt  }
0x45: {  	_ =	shalt  }
0x46: {  	_ =	shalt  }
0x47: {  	_ =	shalt  }
0x48: {  	_ =	shalt  }
0x49: {  	_ =	shalt  }
0x4a: {  	_ =	shalt  }
0x4b: {  	_ =	shalt  }
0x4c: {  	_ =	shalt  }
0x4d: {  	_ =	shalt  }
0x4e: {  	_ =	shalt  }
0x4f: {  	_ =	shalt  }
0x50: {  	_ =	shalt  }
0x51: {  	_ =	shalt  }
0x52: {  	_ =	shalt  }
0x53: {  	_ =	shalt  }
0x54: {  	_ =	shalt  }
0x55: {  	_ =	shalt  }
0x56: {  	_ =	shalt  }
0x57: {  	_ =	shalt  }
0x58: {  	_ =	shalt  }
0x59: {  	_ =	shalt  }
0x5a: {  	_ =	shalt  }
0x5b: {  	_ =	shalt  }
0x5c: {  	_ =	shalt  }
0x5d: {  	_ =	shalt  }
0x5e: {  	_ =	shalt  }
0x5f: {  	_ =	shalt  }
0x60: {  	_ =	shalt  }
0x61: {  	_ =	shalt  }
0x62: {  	_ =	shalt  }
0x63: {  	_ =	shalt  }
0x64: {  	_ =	shalt  }
0x65: {  	_ =	shalt  }
0x66: {  	_ =	shalt  }
0x67: {  	_ =	shalt  }
0x68: {  	_ =	shalt  }
0x69: {  	_ =	shalt  }
0x6a: {  	_ =	shalt  }
0x6b: {  	_ =	shalt  }
0x6c: {  	_ =	shalt  }
0x6d: {  	_ =	shalt  }
0x6e: {  	_ =	shalt  }
0x6f: {  	_ =	shalt  }
0x70: {  	_ =	shalt  }
0x71: {  	_ =	shalt  }
0x72: {  	_ =	shalt  }
0x73: {  	_ =	shalt  }
0x74: {  	_ =	shalt  }
0x75: {  	_ =	shalt  }
0x76: {  	_ =	shalt  }
0x77: {  	_ =	shalt  }
0x78: {  	_ =	shalt  }
0x79: {  	_ =	shalt  }
0x7a: {  	_ =	shalt  }
0x7b: {  	_ =	shalt  }
0x7c: {  	_ =	shalt  }
0x7d: {  	_ =	shalt  }
0x7e: {  	_ =	shalt  }
0x7f: {  	_ =	shalt  }
0x80: {  	_ =	shalt  }
0x81: {  	_ =	shalt  }
0x82: {  	_ =	shalt  }
0x83: {  	_ =	shalt  }
0x84: {  	_ =	shalt  }
0x85: {  	_ =	shalt  }
0x86: {  	_ =	shalt  }
0x87: {  	_ =	shalt  }
.Lfunc_end0:
.L_simem_size_0:
called_computation.1_lowered:
.L_overlay_start_0:
0x88: {  	s2 =	sld [smem:$0x3FD9]  }
0x89: {  	s3 =	sld [smem:$0x3FFE];
	_ =	sdelay $0x1  }
0x8a: {  	s1 =	srdreg.scid  }
0x8b: {  	s0 =	sand.u32 $0x1, s1  }
0x8c: {  	s17 =	sshll.u32 s0, $0xA;
	s2 =	sadd.s32 s3, s2  }
0x8d: {  	s2 =	sadd.s32 s2, s17  }
0x8e: {  	[smem:$0x3FC6] =	sst s2  }
0x8f: {  	_ = 	snop  }
0x90: {  	s2 =	sld [smem:$0x3FC9]  }
0x91: {  	s18 =	sld [smem:$0x3FD0];
	(tm) =	ssettm $0x1  }
0x92: {  	s4 =	sld [smem:$0x3FFB];
	_ =	sdelay $0x3  }
0x93: {  	_ =	strace s4  }
0x94: {  	s4 =	sld [smem:$0x3FFC];
	_ =	sdelay $0x3  }
0x95: {  	_ =	strace s4  }
0x96: {  	s4 =	sld [smem:$0x3FFD];
	_ =	sdelay $0x3  }
0x97: {  	_ =	strace s4  }
0x98: {  	_ =	strace $0x8FFFFFFF  }
0x99: {  	s19 =	sld [smem:$0x3FDB];
	_ =	sdelay $0x1  }
0x9a: {  	s5 =	simm.s32 $_scs_section_size  }
0x9b: {  	s6 =	simm.s32 $_size__tile_overlayer_lowered;
	s7 =	simm.s32 $_tile_overlayer_lowered  }
0x9c: {  	s22 =	simm.s32 $0x1BFF;
	s21 =	sshll.u32 s7, $0x1;
	s4 =	sadd.s32 s5, s19  }
0x9d: {  	s8 =	simm.s32 $0x0;
	s20 =	sshll.u32 s6, $0x1;
	s6 =	sadd.s32 s21, s4  }
0x9e: {  	[timem:s8], [sflag:s22] =	dma.local [hbm:s6], s20  }
0x9f: {  	_ =	swait.ge [sflag:s22], s20  }
0xa0: {  	s5 =	ssub.s32 $0x0, s20;
	[sflag:s22] =	ssyncset.done $0x0  }
0xa1: {  	[sflag:s22] =	ssyncadd.s32 s5;
	_ =	sdelay $0x1  }
0xa2: {  	s23 =	simm.s32 $0x1B8B  }
0xa3: {  	_ =	swait.ge [sflag:s23], $0x1  }
0xa4: {  	[sflag:s23] =	ssyncset.done $0x0  }
0xa5: {  	s25 =	simm.s32 $0x1B8E;
	s24 =	sld [smem:$0x3FFE];
	[sflag:s23] =	ssyncadd.s32 $0xFFFFFFFF  }
0xa6: {  	s26 =	simm.s32 $execute0_lowered;
	[smem:$0x3FD2] =	sst s25  }
0xa7: {  	s6 =	sshll.u32 s26, $0x1;
	_ =	strace $0x80000046;
	[dreg:$0x1] =	wrdreg $0xFFFFFFFF  }
0xa8: {  	s28 =	simm.s32 $_size_execute0_lowered;
	s4 =	sadd.s32 s4, s6;
	[dreg:$0x0] =	wrdreg $0x0  }
0xa9: {  	s6 =	sshll.u32 s28, $0x1;
	[dreg:$0x2] =	wrdreg s4  }
0xaa: {  	[dreg:$0x3] =	wrdreg s6  }
0xab: {  	[dreg:$0x4] =	wrdreg $0xC0  }
0xac: {  	_ =	task [dreg:s8], $0x5FFFF  }
0xad: {  	[dreg:$0x1] =	wrdreg $0xFFFFFFFF  }
0xae: {  	[dreg:$0x0] =	wrdreg $0x60  }
0xaf: {  	[dreg:$0x2] =	wrdreg s2  }
0xb0: {  	[dreg:$0x3] =	wrdreg s24  }
0xb1: {  	[dreg:$0x4] =	wrdreg s18  }
0xb2: {  	[dreg:$0x5] =	wrdreg $0x9  }
0xb3: {  	_ =	task.clear_ibuf [dreg:s8], $0x6FFFF;
	_ =	strace $0x90000046  }
0xb4: {  	s29 =	simm.s32 $0x9;
	_ =	strace $0x80000048  }
0xb5: {  	_ =	swait.ge [sflag:s29], $0x1  }
0xb6: {  	[sflag:s29] =	ssyncadd.s32 $0xFFFFFFFF  }
0xb7: {  	_ =	strace $0x90000048  }
0xb8: {  	_ =	sfence  }
0xb9: {  	s30 =	sld [smem:$0x0];
	_ =	sdelay $0x2  }
0xba: {  	s31 =	sshll.u32 s1, $0xD;
	s1 =	sshrl.u32 s1, $0x2  }
0xbb: {  	s3 =	sand.u32 $0x4000, s31;
	s1 =	sadd.s32 s1, s30  }
0xbc: {  	s0 =	sor.u32 s3, s0;
	s1 =	sshll.u32 s1, $0x11  }
0xbd: {  	s0 =	sor.u32 s1, s0  }
0xbe: {  	s0 =	sadd.s32 $0x8F2B, s0  }
0xbf: {  	[sflag:s0] =	ssyncadd.remote.s32 $0x1  }
0xc0: {  	_ =	sfence.sel $0xFFFF  }
0xc1: {  	[dreg:$0x0] =	wrdreg $0xFFFFFFFF;
	(pc) =	sbr.abs _section_cstart, $3  }
0xc2: {  	[dreg:$0x1] =	wrdreg $0xFFFFFFFF  }
0xc3: {  	_ =	task.clear_ibuf [dreg:s8], $0x2FFFF;
	_ =	strace $0x9FFFFFFF  }
0xc4: {  	(tm) =	ssettm $0x7FFFFFFF  }
0xc5: {  	_ =	shalt  }
tec
execute0_lowered:
.L_overlay_start_1:
0x0: {  	(tag) =	ssettag $0x1  }
0x1: {  	s0 =	rddreg [dreg:$0x0]  }
0x2: {  	s1 =	rddreg [dreg:$0x1]  }
0x3: {  	s2 =	rddreg [dreg:$0x2]  }
0x4: {  	s4 =	srdreg.scid;
	s5 =	stileid.u32  }
0x5: {  	s3 =	simm.s32 $0x0;
	s9 =	simm.s32 $0x50;
	s10 =	simm.s32 $0x6400  }
0x6: {  	s14 =	simm.s32 $0xF0;
	s15 =	simm.s32 $0xA000;
	s16 =	simm.s32 $0x140  }
0x7: {  	s17 =	simm.s32 $0xB400;
	s18 =	simm.s32 $0xC800;
	s19 =	simm.s32 $0xDC00  }
0x8: {  	s20 =	simm.s32 $0xF000;
	s21 =	simm.s32 $0x10400;
	s22 =	simm.s32 $0x11800  }
0x9: {  	s23 =	simm.s32 $0x1;
	s24 =	simm.s32 $0x9600;
	s25 =	simm.s32 $0x3  }
0xa: {  	s26 =	simm.s32 $0x2;
	s28 =	simm.s32 $0xFA00;
	s29 =	simm.s32 $0x4  }
0xb: {  	s30 =	simm.s32 $0x0;
	s4 =	sand.u32 $0x1, s4;
	s5 =	sshll.u32 s5, $0x1  }
0xc: {  	[smem:$0x7FF] =	sst s3;
	s6 =	ssub.s32 $0x2, s4;
	s5 =	sor.u32 s4, s5  }
0xd: {  	_ =	strace $0x80000047;
	s7 =	sshrl.u32 s6, $0x1;
	s8 =	smul.u32 $0xC80, s5  }
0xe: {  	s4 =	sadd.s32 $0xF42C00, s1;
	s5 =	sshll.u32 s5, $0x7;
	s31 =	ssub.s32 s6, s7  }
0xf: {  	s6 =	sadd.s32 s0, s8;
	s7 =	smax.u32 s31, $0x1;
	s8 =	simm.s32 $0x5  }
.LBB2_1:
0x10: {  	[tilespmem:s3], [sflag:$0x5] =	stream.linear.gather [hbm4b:s6+s3], $0x6400, $0x38;
	[tilespmem:$0x12C00] =	vst v63  }
0x11: {  	_ =	swait.ge [sflag:s8], $0x6400  }
0x12: {  	[sflag:s8] =	ssyncset.done $0x0  }
0x13: {  	[sflag:s8] =	ssyncadd.s32 $0xFFFF9C00  }
0x14: {  	[tilespmem:s10], [sflag:$0x1] =	stream.indirect.gather [hbm4b:s4+s9], $0x40, s3, s9, $0xb8;
	[tilespmem:$0x12C00] =	vst v63  }
0x15: {  	s0 =	simm.s32 $0x7800  }
0x16: {  	[tilespmem:s0], [sflag:$0x1] =	stream.indirect.gather [hbm4b:s4+s9], $0x40, s9, s9, $0xb8;
	[tilespmem:$0x12C00] =	vst v63  }
0x17: {  	s13 =	simm.s32 $0xA0;
	s1 =	simm.s32 $0x8C00  }
0x18: {  	[tilespmem:s1], [sflag:$0x1] =	stream.indirect.gather [hbm4b:s4+s9], $0x40, s13, s9, $0xb8;
	[tilespmem:$0x12C00] =	vst v63  }
0x19: {  	_ = 	snop  }
0x1a: {  	[tilespmem:s15], [sflag:$0x1] =	stream.indirect.gather [hbm4b:s4+s9], $0x40, s14, s9, $0xb8;
	[tilespmem:$0x12C00] =	vst v63  }
0x1b: {  	s31 =	simm.s32 $0x0  }
0x1c: {  	[tilespmem:s17], [sflag:$0x1] =	stream.indirect.gather [hbm4b:s4+s9], $0x40, s16, s9, $0xb8;
	[tilespmem:$0x12C00] =	vst v63  }
.LBB2_2:
0x1d: {  	p0 =	seq.s32 s31, $0x0  }
0x1e: {  	s1 =	simm.s32 @!p0 $0x4  }
0x1f: {  	_ =	swait.ge @!p0 [sflag:s1], $0x3200  }
0x20: {  	s0 =	sshll.u32 s31, $0x1;
	[sflag:s1] =	ssyncset.done @!p0 $0x0  }
0x21: {  	s0 =	sor.u32 $0x1, s0;
	[sflag:s1] =	ssyncadd.s32 @!p0 $0xFFFFCE00  }
0x22: {  	s11 =	smul.u32 $0x640, s0;
	_ =	swait.ge @!p0 [sflag:s1], $0x3200  }
0x23: {  	[sflag:s1] =	ssyncset.done @!p0 $0x0  }
0x24: {  	[sflag:s1] =	ssyncadd.s32 @!p0 $0xFFFFCE00;
	s1 =	sshra.s32 s11, $0x2  }
0x25: {  	[tilespmem:s18], [sflag:$0x2] =	stream.indirect.gather [hbm4b:s4+s9], $0x40, s1, s9, $0xb8;
	[tilespmem:$0x12C00] =	vst v63  }
0x26: {  	s11 =	sadd.s32 $0x50, s1  }
0x27: {  	[tilespmem:s19], [sflag:$0x2] =	stream.indirect.gather [hbm4b:s4+s9], $0x40, s11, s9, $0xb8;
	[tilespmem:$0x12C00] =	vst v63  }
0x28: {  	s12 =	sadd.s32 $0xA0, s1  }
0x29: {  	[tilespmem:s20], [sflag:$0x2] =	stream.indirect.gather [hbm4b:s4+s9], $0x40, s12, s9, $0xb8;
	[tilespmem:$0x12C00] =	vst v63  }
0x2a: {  	s13 =	sadd.s32 $0xF0, s1  }
0x2b: {  	[tilespmem:s21], [sflag:$0x2] =	stream.indirect.gather [hbm4b:s4+s9], $0x40, s13, s9, $0xb8;
	[tilespmem:$0x12C00] =	vst v63  }
0x2c: {  	s1 =	sadd.s32 $0x140, s1  }
0x2d: {  	[tilespmem:s22], [sflag:$0x2] =	stream.indirect.gather [hbm4b:s4+s9], $0x40, s1, s9, $0xb8;
	[tilespmem:$0x12C00] =	vst v63  }
0x2e: {  	_ =	swait.ge [sflag:s23], $0x6400  }
0x2f: {  	[sflag:s23] =	ssyncset.done $0x0  }
0x30: {  	s1 =	simm.s32 $0x6500;
	[sflag:s23] =	ssyncadd.s32 $0xFFFF9C00  }
0x31: {  	v0 =	vld [tilespmem:s1+$0xFFFFFF10]  }
0x32: {  	v1 =	vld [tilespmem:s1+$0xFFFFFF20]  }
0x33: {  	v2 =	vld [tilespmem:s1+$0xFFFFFF30]  }
0x34: {  	v5 =	vld [tilespmem:s1+$0xFFFFFF60]  }
0x35: {  	v3 =	vld [tilespmem:s1+$0xFFFFFF40]  }
0x36: {  	v4 =	vld [tilespmem:s1+$0xFFFFFF50]  }
0x37: {  	v6 =	vld [tilespmem:s1+$0xFFFFFF70];
	v0 =	vmul.f32 $8.000000000e+00, v0  }
0x38: {  	v7 =	vld [tilespmem:s1+$0xF0];
	v1 =	vmul.f32 $8.000000000e+00, v1  }
0x39: {  	v8 =	vld [tilespmem:s1+$0x10];
	v5 =	vmul.f32 $8.000000000e+00, v5;
	[tilespmem:s1+$0xFFFFFF10] =	vst v0  }
0x3a: {  	v9 =	vld [tilespmem:s1+$0x20];
	v2 =	vmul.f32 $8.000000000e+00, v2;
	[tilespmem:s1+$0xFFFFFF20] =	vst v1  }
0x3b: {  	v3 =	vmul.f32 $8.000000000e+00, v3;
	[tilespmem:s1+$0xFFFFFF60] =	vst v5;
	v5 =	vld [tilespmem:s1+$0x0]  }
0x3c: {  	v4 =	vmul.f32 $8.000000000e+00, v4;
	v0 =	vld [tilespmem:s1+$0xFFFFFF80];
	[tilespmem:s1+$0xFFFFFF30] =	vst v2  }
0x3d: {  	v6 =	vmul.f32 $8.000000000e+00, v6;
	v1 =	vld [tilespmem:s1+$0xFFFFFF90];
	[tilespmem:s1+$0xFFFFFF40] =	vst v3  }
0x3e: {  	v8 =	vmul.f32 $8.000000000e+00, v8;
	v2 =	vld [tilespmem:s1+$0xFFFFFFA0];
	[tilespmem:s1+$0xFFFFFF50] =	vst v4  }
0x3f: {  	v10 =	vld [tilespmem:s1+$0x30];
	v4 =	vmul.f32 $8.000000000e+00, v7;
	[tilespmem:s1+$0xFFFFFF70] =	vst v6  }
0x40: {  	v3 =	vld [tilespmem:s1+$0xFFFFFFB0];
	[tilespmem:s1+$0x10] =	vst v8;
	v5 =	vmul.f32 $8.000000000e+00, v5  }
0x41: {  	v7 =	vld [tilespmem:s1+$0xFFFFFFC0];
	[tilespmem:s1+$0xF0] =	vst v4;
	v0 =	vmul.f32 $8.000000000e+00, v0  }
0x42: {  	v4 =	vld [tilespmem:s1+$0xFFFFFFD0];
	v1 =	vmul.f32 $8.000000000e+00, v1;
	[tilespmem:s1+$0x0] =	vst v5  }
0x43: {  	v11 =	vld [tilespmem:s1+$0x40];
	v2 =	vmul.f32 $8.000000000e+00, v2;
	[tilespmem:s1+$0xFFFFFF80] =	vst v0  }
0x44: {  	v12 =	vld [tilespmem:s1+$0x50];
	v0 =	vmul.f32 $8.000000000e+00, v9;
	[tilespmem:s1+$0xFFFFFF90] =	vst v1  }
0x45: {  	v6 =	vld [tilespmem:s1+$0x60];
	v1 =	vmul.f32 $8.000000000e+00, v3;
	[tilespmem:s1+$0xFFFFFFA0] =	vst v2  }
0x46: {  	v13 =	vld [tilespmem:s1+$0x70];
	v2 =	vmul.f32 $8.000000000e+00, v7;
	[tilespmem:s1+$0x20] =	vst v0  }
0x47: {  	v62 =	vld [tilespmem:s1+$0x80];
	v3 =	vmul.f32 $8.000000000e+00, v4;
	[tilespmem:s1+$0xFFFFFFB0] =	vst v1  }
0x48: {  	v8 =	vld [tilespmem:s1+$0xFFFFFFF0];
	v0 =	vmul.f32 $8.000000000e+00, v10;
	[tilespmem:s1+$0xFFFFFFC0] =	vst v2  }
0x49: {  	v5 =	vld [tilespmem:s1+$0xFFFFFFE0];
	v1 =	vmul.f32 $8.000000000e+00, v12;
	[tilespmem:s1+$0xFFFFFFD0] =	vst v3  }
0x4a: {  	v2 =	vmul.f32 $8.000000000e+00, v6;
	[tilespmem:s1+$0x30] =	vst v0  }
0x4b: {  	v63 =	vld [tilespmem:s1+$0x90];
	v0 =	vmul.f32 $8.000000000e+00, v11;
	[tilespmem:s1+$0x50] =	vst v1  }
0x4c: {  	v7 =	vld [tilespmem:s1+$0xA0];
	v3 =	vmul.f32 $8.000000000e+00, v13;
	[tilespmem:s1+$0x60] =	vst v2  }
0x4d: {  	v6 =	vmul.f32 $8.000000000e+00, v62;
	[tilespmem:s1+$0x40] =	vst v0;
	v0 =	vld [tilespmem:s1+$0xB0]  }
0x4e: {  	v1 =	vld [tilespmem:s1+$0xC0];
	[tilespmem:s1+$0x70] =	vst v3;
	v4 =	vmul.f32 $8.000000000e+00, v5;
	v5 =	vmul.f32 $8.000000000e+00, v8  }
0x4f: {  	v2 =	vld [tilespmem:s1+$0xD0];
	[tilespmem:s1+$0x80] =	vst v6  }
0x50: {  	v3 =	vld [tilespmem:s1+$0xE0];
	[tilespmem:s1+$0xFFFFFFF0] =	vst v5;
	v5 =	vmul.f32 $8.000000000e+00, v63  }
0x51: {  	s11 =	simm.s32 $0x0;
	s12 =	simm.s32 $0x6700;
	v6 =	vmul.f32 $8.000000000e+00, v7;
	[tilespmem:s1+$0xFFFFFFE0] =	vst v4;
	v4 =	vld [tilespmem:s1+$0xFFFFFF00]  }
.LBB2_3:
0x52: {  	v7 =	vld [tilespmem:s12+$0xF0];
	s11 =	sadd.s32 $0x2, s11;
	[tilespmem:s1+$0x90] =	vst v5;
	v0 =	vmul.f32 $8.000000000e+00, v0  }
0x53: {  	v5 =	vld [tilespmem:s12+$0xFFFFFF10];
	p0 =	slt.u32 s11, $0x62;
	[tilespmem:s1+$0xA0] =	vst v6;
	v1 =	vmul.f32 $8.000000000e+00, v1  }
0x54: {  	v6 =	vld [tilespmem:s12+$0xFFFFFF20];
	[tilespmem:s1+$0xB0] =	vst v0;
	v0 =	vmul.f32 $8.000000000e+00, v2  }
0x55: {  	v2 =	vld [tilespmem:s12+$0xFFFFFF30];
	[tilespmem:s1+$0xC0] =	vst v1;
	v1 =	vmul.f32 $8.000000000e+00, v3  }
0x56: {  	v3 =	vld [tilespmem:s12+$0xFFFFFF40];
	v4 =	vmul.f32 $8.000000000e+00, v4;
	[tilespmem:s1+$0xD0] =	vst v0  }
0x57: {  	v0 =	vld [tilespmem:s12+$0xFFFFFF50];
	v7 =	vmul.f32 $8.000000000e+00, v7;
	[tilespmem:s1+$0xE0] =	vst v1  }
0x58: {  	v1 =	vmul.f32 $8.000000000e+00, v5;
	v5 =	vld [tilespmem:s12+$0xFFFFFF60];
	[tilespmem:s1+$0xFFFFFF00] =	vst v4;
	s1 =	smov.u32 s12  }
0x59: {  	v4 =	vmul.f32 $8.000000000e+00, v6;
	v6 =	vld [tilespmem:s12+$0xFFFFFF70];
	[tilespmem:s12+$0xF0] =	vst v7  }
0x5a: {  	[tilespmem:s12+$0xFFFFFF10] =	vst v1;
	v1 =	vmul.f32 $8.000000000e+00, v2;
	v2 =	vld [tilespmem:s12+$0xFFFFFF80]  }
0x5b: {  	[tilespmem:s12+$0xFFFFFF20] =	vst v4;
	v3 =	vmul.f32 $8.000000000e+00, v3;
	v4 =	vld [tilespmem:s12+$0xFFFFFF90]  }
0x5c: {  	[tilespmem:s12+$0xFFFFFF30] =	vst v1;
	v0 =	vmul.f32 $8.000000000e+00, v0;
	v1 =	vld [tilespmem:s12+$0xFFFFFFA0]  }
0x5d: {  	[tilespmem:s12+$0xFFFFFF40] =	vst v3;
	v3 =	vmul.f32 $8.000000000e+00, v5;
	v5 =	vld [tilespmem:s12+$0xFFFFFFB0]  }
0x5e: {  	[tilespmem:s12+$0xFFFFFF50] =	vst v0;
	v0 =	vmul.f32 $8.000000000e+00, v6;
	v6 =	vld [tilespmem:s12+$0xFFFFFFC0]  }
0x5f: {  	[tilespmem:s12+$0xFFFFFF60] =	vst v3;
	v2 =	vmul.f32 $8.000000000e+00, v2;
	v3 =	vld [tilespmem:s12+$0xFFFFFFD0]  }
0x60: {  	[tilespmem:s12+$0xFFFFFF70] =	vst v0;
	v0 =	vmul.f32 $8.000000000e+00, v4;
	v4 =	vld [tilespmem:s12+$0xFFFFFFE0]  }
0x61: {  	[tilespmem:s12+$0xFFFFFF80] =	vst v2;
	v1 =	vmul.f32 $8.000000000e+00, v1;
	v2 =	vld [tilespmem:s12+$0xFFFFFFF0]  }
0x62: {  	[tilespmem:s12+$0xFFFFFF90] =	vst v0;
	v0 =	vmul.f32 $8.000000000e+00, v5;
	v5 =	vld [tilespmem:s12+$0x0]  }
0x63: {  	[tilespmem:s12+$0xFFFFFFA0] =	vst v1;
	v1 =	vmul.f32 $8.000000000e+00, v6;
	v6 =	vld [tilespmem:s12+$0x10]  }
0x64: {  	[tilespmem:s12+$0xFFFFFFB0] =	vst v0;
	v0 =	vmul.f32 $8.000000000e+00, v3;
	v3 =	vld [tilespmem:s12+$0x20]  }
0x65: {  	[tilespmem:s12+$0xFFFFFFC0] =	vst v1;
	v1 =	vmul.f32 $8.000000000e+00, v4;
	v4 =	vld [tilespmem:s12+$0x30]  }
0x66: {  	[tilespmem:s12+$0xFFFFFFD0] =	vst v0;
	v0 =	vmul.f32 $8.000000000e+00, v2;
	v2 =	vld [tilespmem:s12+$0x40]  }
0x67: {  	[tilespmem:s12+$0xFFFFFFE0] =	vst v1;
	v1 =	vmul.f32 $8.000000000e+00, v5;
	v5 =	vld [tilespmem:s12+$0x50]  }
0x68: {  	[tilespmem:s12+$0xFFFFFFF0] =	vst v0;
	v0 =	vmul.f32 $8.000000000e+00, v6;
	v6 =	vld [tilespmem:s12+$0x60]  }
0x69: {  	[tilespmem:s12+$0x0] =	vst v1;
	v1 =	vmul.f32 $8.000000000e+00, v3;
	v3 =	vld [tilespmem:s12+$0x70]  }
0x6a: {  	[tilespmem:s12+$0x10] =	vst v0;
	v0 =	vmul.f32 $8.000000000e+00, v4;
	v4 =	vld [tilespmem:s12+$0x80]  }
0x6b: {  	[tilespmem:s12+$0x20] =	vst v1;
	v1 =	vmul.f32 $8.000000000e+00, v2;
	v7 =	vld [tilespmem:s12+$0x90]  }
0x6c: {  	[tilespmem:s12+$0x30] =	vst v0;
	v2 =	vmul.f32 $8.000000000e+00, v5;
	v8 =	vld [tilespmem:s12+$0xA0]  }
.Ltmp0:
0x6d: {  	[tilespmem:s12+$0x40] =	vst v1;
	v5 =	vmul.f32 $8.000000000e+00, v6;
	v0 =	vld [tilespmem:s12+$0xB0];
	(pc) =	sbr.rel @p0 .LBB2_3-.Ltmp0, $4  }
0x6e: {  	[tilespmem:s12+$0x50] =	vst v2;
	v3 =	vmul.f32 $8.000000000e+00, v3;
	v1 =	vld [tilespmem:s12+$0xC0]  }
0x6f: {  	[tilespmem:s12+$0x60] =	vst v5;
	v6 =	vmul.f32 $8.000000000e+00, v4;
	v2 =	vld [tilespmem:s12+$0xD0]  }
0x70: {  	[tilespmem:s12+$0x70] =	vst v3;
	v5 =	vmul.f32 $8.000000000e+00, v7;
	v3 =	vld [tilespmem:s12+$0xE0]  }
0x71: {  	s12 =	sadd.s32 $0x200, s12;
	v4 =	vld [tilespmem:s1+$0xFFFFFF00];
	[tilespmem:s1+$0x80] =	vst v6;
	v6 =	vmul.f32 $8.000000000e+00, v8  }
0x72: {  	[tilespmem:s1+$0x90] =	vst v5;
	v0 =	vmul.f32 $8.000000000e+00, v0;
	s11 =	sshll.u32 s31, $0x2  }
0x73: {  	[tilespmem:s1+$0xA0] =	vst v6;
	v1 =	vmul.f32 $8.000000000e+00, v1;
	s11 =	sadd.s32 s5, s11  }
0x74: {  	[tilespmem:s1+$0xB0] =	vst v0;
	v0 =	vmul.f32 $8.000000000e+00, v2;
	s12 =	smul.u32 $0x640, s11  }
0x75: {  	s11 =	smul.u32 $0x3200, s11;
	[tilespmem:s1+$0xC0] =	vst v1;
	v1 =	vmul.f32 $8.000000000e+00, v3  }
0x76: {  	v2 =	vmul.f32 $8.000000000e+00, v4;
	[tilespmem:s1+$0xD0] =	vst v0  }
0x77: {  	s13 =	sshrl.u32 s11, $0x3;
	[tilespmem:s1+$0xE0] =	vst v1  }
0x78: {  	s12 =	sadd.s32 s2, s12;
	[tilespmem:s1+$0xFFFFFF00] =	vst v2;
	s1 =	sadd.s32 s2, s13  }
0x79: {  	[hbm4b:s12+s3] =	stream.linear.scatter [tilespmem:s10], [sflag:$0x3], $0x3200, $0x38;
	[tilespmem:$0x12C00] =	vst v63  }
0x7a: {  	s1 =	sadd.s32 $0x640, s1  }
0x7b: {  	[hbm4b:s1+s3] =	stream.linear.scatter [tilespmem:s24], [sflag:$0x3], $0x3200, $0x38;
	[tilespmem:$0x12C00] =	vst v63  }
0x7c: {  	_ =	swait.ge [sflag:s25], $0x3200  }
0x7d: {  	p0 =	seq.s32 s31, $0x1F;
	[sflag:s25] =	ssyncset.done $0x0  }
0x7e: {  	s1 =	smul.u32 @!p0 $0xC80, s31;
	[sflag:s25] =	ssyncadd.s32 $0xFFFFCE00  }
0x7f: {  	_ =	swait.ge [sflag:s25], $0x3200  }
0x80: {  	s13 =	simm.s32 @!p0 $0x6400;
	s1 =	sshra.s32 @!p0 s1, $0x2;
	[sflag:s25] =	ssyncset.done $0x0  }
0x81: {  	s12 =	simm.s32 @!p0 $0x50;
	s11 =	sadd.s32 @!p0 $0x320, s1;
	[sflag:s25] =	ssyncadd.s32 $0xFFFFCE00  }
0x82: {  	[tilespmem:s13], [sflag:$0x1] =	stream.indirect.gather @!p0 [hbm4b:s4+s12], $0x40, s11, s12, $0xb8;
	[tilespmem:$0x12C00] =	vst v63  }
0x83: {  	s11 =	sadd.s32 @!p0 $0x370, s1;
	s13 =	simm.s32 @!p0 $0x7800  }
0x84: {  	[tilespmem:s13], [sflag:$0x1] =	stream.indirect.gather @!p0 [hbm4b:s4+s12], $0x40, s11, s12, $0xb8;
	[tilespmem:$0x12C00] =	vst v63  }
0x85: {  	s11 =	sadd.s32 @!p0 $0x3C0, s1;
	s13 =	simm.s32 @!p0 $0x8C00  }
0x86: {  	[tilespmem:s13], [sflag:$0x1] =	stream.indirect.gather @!p0 [hbm4b:s4+s12], $0x40, s11, s12, $0xb8;
	[tilespmem:$0x12C00] =	vst v63  }
0x87: {  	s11 =	sadd.s32 @!p0 $0x410, s1;
	s13 =	simm.s32 @!p0 $0xA000  }
0x88: {  	[tilespmem:s13], [sflag:$0x1] =	stream.indirect.gather @!p0 [hbm4b:s4+s12], $0x40, s11, s12, $0xb8;
	[tilespmem:$0x12C00] =	vst v63  }
0x89: {  	s1 =	sadd.s32 @!p0 $0x460, s1;
	s11 =	simm.s32 @!p0 $0xB400  }
0x8a: {  	[tilespmem:s11], [sflag:$0x1] =	stream.indirect.gather @!p0 [hbm4b:s4+s12], $0x40, s1, s12, $0xb8;
	[tilespmem:$0x12C00] =	vst v63  }
0x8b: {  	_ =	swait.ge [sflag:s26], $0x6400  }
0x8c: {  	[sflag:s26] =	ssyncset.done $0x0  }
0x8d: {  	s1 =	simm.s32 $0xC800;
	[sflag:s26] =	ssyncadd.s32 $0xFFFF9C00  }
0x8e: {  	v0 =	vld [tilespmem:s1+$0x10]  }
0x8f: {  	v1 =	vld [tilespmem:s1+$0x20]  }
0x90: {  	v2 =	vld [tilespmem:s1+$0x30]  }
0x91: {  	v5 =	vld [tilespmem:s1+$0x60]  }
0x92: {  	v3 =	vld [tilespmem:s1+$0x40]  }
0x93: {  	v4 =	vld [tilespmem:s1+$0x50]  }
0x94: {  	v6 =	vld [tilespmem:s1+$0x70];
	v0 =	vmul.f32 $8.000000000e+00, v0  }
0x95: {  	v7 =	vld [tilespmem:s1+$0x1F0];
	v1 =	vmul.f32 $8.000000000e+00, v1  }
0x96: {  	v8 =	vld [tilespmem:s1+$0x110];
	v5 =	vmul.f32 $8.000000000e+00, v5;
	[tilespmem:s1+$0x10] =	vst v0  }
0x97: {  	v9 =	vld [tilespmem:s1+$0x120];
	v2 =	vmul.f32 $8.000000000e+00, v2;
	[tilespmem:s1+$0x20] =	vst v1  }
0x98: {  	v3 =	vmul.f32 $8.000000000e+00, v3;
	[tilespmem:s1+$0x60] =	vst v5;
	v5 =	vld [tilespmem:s1+$0x100]  }
0x99: {  	v4 =	vmul.f32 $8.000000000e+00, v4;
	v0 =	vld [tilespmem:s1+$0x80];
	[tilespmem:s1+$0x30] =	vst v2  }
0x9a: {  	v6 =	vmul.f32 $8.000000000e+00, v6;
	v1 =	vld [tilespmem:s1+$0x90];
	[tilespmem:s1+$0x40] =	vst v3  }
0x9b: {  	v8 =	vmul.f32 $8.000000000e+00, v8;
	v2 =	vld [tilespmem:s1+$0xA0];
	[tilespmem:s1+$0x50] =	vst v4  }
0x9c: {  	v10 =	vld [tilespmem:s1+$0x130];
	v4 =	vmul.f32 $8.000000000e+00, v7;
	[tilespmem:s1+$0x70] =	vst v6  }
0x9d: {  	v3 =	vld [tilespmem:s1+$0xB0];
	[tilespmem:s1+$0x110] =	vst v8;
	v5 =	vmul.f32 $8.000000000e+00, v5  }
0x9e: {  	v7 =	vld [tilespmem:s1+$0xC0];
	[tilespmem:s1+$0x1F0] =	vst v4;
	v0 =	vmul.f32 $8.000000000e+00, v0  }
0x9f: {  	v4 =	vld [tilespmem:s1+$0xD0];
	v1 =	vmul.f32 $8.000000000e+00, v1;
	[tilespmem:s1+$0x100] =	vst v5  }
0xa0: {  	v11 =	vld [tilespmem:s1+$0x140];
	v2 =	vmul.f32 $8.000000000e+00, v2;
	[tilespmem:s1+$0x80] =	vst v0  }
0xa1: {  	v12 =	vld [tilespmem:s1+$0x150];
	v0 =	vmul.f32 $8.000000000e+00, v9;
	[tilespmem:s1+$0x90] =	vst v1  }
0xa2: {  	v6 =	vld [tilespmem:s1+$0x160];
	v1 =	vmul.f32 $8.000000000e+00, v3;
	[tilespmem:s1+$0xA0] =	vst v2  }
0xa3: {  	v13 =	vld [tilespmem:s1+$0x170];
	v2 =	vmul.f32 $8.000000000e+00, v7;
	[tilespmem:s1+$0x120] =	vst v0  }
0xa4: {  	v62 =	vld [tilespmem:s1+$0x180];
	v3 =	vmul.f32 $8.000000000e+00, v4;
	[tilespmem:s1+$0xB0] =	vst v1  }
0xa5: {  	v8 =	vld [tilespmem:s1+$0xF0];
	v0 =	vmul.f32 $8.000000000e+00, v10;
	[tilespmem:s1+$0xC0] =	vst v2  }
0xa6: {  	v5 =	vld [tilespmem:s1+$0xE0];
	v1 =	vmul.f32 $8.000000000e+00, v12;
	[tilespmem:s1+$0xD0] =	vst v3  }
0xa7: {  	v2 =	vmul.f32 $8.000000000e+00, v6;
	[tilespmem:s1+$0x130] =	vst v0  }
0xa8: {  	v63 =	vld [tilespmem:s1+$0x190];
	v0 =	vmul.f32 $8.000000000e+00, v11;
	[tilespmem:s1+$0x150] =	vst v1  }
0xa9: {  	v7 =	vld [tilespmem:s1+$0x1A0];
	v3 =	vmul.f32 $8.000000000e+00, v13;
	[tilespmem:s1+$0x160] =	vst v2  }
0xaa: {  	v6 =	vmul.f32 $8.000000000e+00, v62;
	[tilespmem:s1+$0x140] =	vst v0;
	v0 =	vld [tilespmem:s1+$0x1B0]  }
0xab: {  	v1 =	vld [tilespmem:s1+$0x1C0];
	[tilespmem:s1+$0x170] =	vst v3;
	v4 =	vmul.f32 $8.000000000e+00, v5;
	v5 =	vmul.f32 $8.000000000e+00, v8  }
0xac: {  	v2 =	vld [tilespmem:s1+$0x1D0];
	[tilespmem:s1+$0x180] =	vst v6  }
0xad: {  	v3 =	vld [tilespmem:s1+$0x1E0];
	[tilespmem:s1+$0xF0] =	vst v5;
	v5 =	vmul.f32 $8.000000000e+00, v63  }
0xae: {  	s11 =	simm.s32 $0x0;
	s12 =	simm.s32 $0xCA00;
	v6 =	vmul.f32 $8.000000000e+00, v7;
	[tilespmem:s1+$0xE0] =	vst v4;
	v4 =	vld [tilespmem:s1+$0x0]  }
.LBB2_5:
0xaf: {  	v7 =	vld [tilespmem:s12+$0x1F0];
	s11 =	sadd.s32 $0x2, s11;
	[tilespmem:s1+$0x190] =	vst v5;
	v0 =	vmul.f32 $8.000000000e+00, v0  }
0xb0: {  	v5 =	vld [tilespmem:s12+$0x10];
	p0 =	slt.u32 s11, $0x62;
	[tilespmem:s1+$0x1A0] =	vst v6;
	v1 =	vmul.f32 $8.000000000e+00, v1  }
0xb1: {  	v6 =	vld [tilespmem:s12+$0x20];
	[tilespmem:s1+$0x1B0] =	vst v0;
	v0 =	vmul.f32 $8.000000000e+00, v2  }
0xb2: {  	v2 =	vld [tilespmem:s12+$0x30];
	[tilespmem:s1+$0x1C0] =	vst v1;
	v1 =	vmul.f32 $8.000000000e+00, v3  }
0xb3: {  	v3 =	vld [tilespmem:s12+$0x40];
	v4 =	vmul.f32 $8.000000000e+00, v4;
	[tilespmem:s1+$0x1D0] =	vst v0  }
0xb4: {  	v0 =	vld [tilespmem:s12+$0x50];
	v7 =	vmul.f32 $8.000000000e+00, v7;
	[tilespmem:s1+$0x1E0] =	vst v1  }
0xb5: {  	v1 =	vmul.f32 $8.000000000e+00, v5;
	v5 =	vld [tilespmem:s12+$0x60];
	[tilespmem:s1+$0x0] =	vst v4;
	s1 =	smov.u32 s12  }
0xb6: {  	v4 =	vmul.f32 $8.000000000e+00, v6;
	v6 =	vld [tilespmem:s12+$0x70];
	[tilespmem:s12+$0x1F0] =	vst v7  }
0xb7: {  	[tilespmem:s12+$0x10] =	vst v1;
	v1 =	vmul.f32 $8.000000000e+00, v2;
	v2 =	vld [tilespmem:s12+$0x80]  }
0xb8: {  	[tilespmem:s12+$0x20] =	vst v4;
	v3 =	vmul.f32 $8.000000000e+00, v3;
	v4 =	vld [tilespmem:s12+$0x90]  }
0xb9: {  	[tilespmem:s12+$0x30] =	vst v1;
	v0 =	vmul.f32 $8.000000000e+00, v0;
	v1 =	vld [tilespmem:s12+$0xA0]  }
0xba: {  	[tilespmem:s12+$0x40] =	vst v3;
	v3 =	vmul.f32 $8.000000000e+00, v5;
	v5 =	vld [tilespmem:s12+$0xB0]  }
0xbb: {  	[tilespmem:s12+$0x50] =	vst v0;
	v0 =	vmul.f32 $8.000000000e+00, v6;
	v6 =	vld [tilespmem:s12+$0xC0]  }
0xbc: {  	[tilespmem:s12+$0x60] =	vst v3;
	v2 =	vmul.f32 $8.000000000e+00, v2;
	v3 =	vld [tilespmem:s12+$0xD0]  }
0xbd: {  	[tilespmem:s12+$0x70] =	vst v0;
	v0 =	vmul.f32 $8.000000000e+00, v4;
	v4 =	vld [tilespmem:s12+$0xE0]  }
0xbe: {  	[tilespmem:s12+$0x80] =	vst v2;
	v1 =	vmul.f32 $8.000000000e+00, v1;
	v2 =	vld [tilespmem:s12+$0xF0]  }
0xbf: {  	[tilespmem:s12+$0x90] =	vst v0;
	v0 =	vmul.f32 $8.000000000e+00, v5;
	v5 =	vld [tilespmem:s12+$0x100]  }
0xc0: {  	[tilespmem:s12+$0xA0] =	vst v1;
	v1 =	vmul.f32 $8.000000000e+00, v6;
	v6 =	vld [tilespmem:s12+$0x110]  }
0xc1: {  	[tilespmem:s12+$0xB0] =	vst v0;
	v0 =	vmul.f32 $8.000000000e+00, v3;
	v3 =	vld [tilespmem:s12+$0x120]  }
0xc2: {  	[tilespmem:s12+$0xC0] =	vst v1;
	v1 =	vmul.f32 $8.000000000e+00, v4;
	v4 =	vld [tilespmem:s12+$0x130]  }
0xc3: {  	[tilespmem:s12+$0xD0] =	vst v0;
	v0 =	vmul.f32 $8.000000000e+00, v2;
	v2 =	vld [tilespmem:s12+$0x140]  }
0xc4: {  	[tilespmem:s12+$0xE0] =	vst v1;
	v1 =	vmul.f32 $8.000000000e+00, v5;
	v5 =	vld [tilespmem:s12+$0x150]  }
0xc5: {  	[tilespmem:s12+$0xF0] =	vst v0;
	v0 =	vmul.f32 $8.000000000e+00, v6;
	v6 =	vld [tilespmem:s12+$0x160]  }
0xc6: {  	[tilespmem:s12+$0x100] =	vst v1;
	v1 =	vmul.f32 $8.000000000e+00, v3;
	v3 =	vld [tilespmem:s12+$0x170]  }
0xc7: {  	[tilespmem:s12+$0x110] =	vst v0;
	v0 =	vmul.f32 $8.000000000e+00, v4;
	v4 =	vld [tilespmem:s12+$0x180]  }
0xc8: {  	[tilespmem:s12+$0x120] =	vst v1;
	v1 =	vmul.f32 $8.000000000e+00, v2;
	v7 =	vld [tilespmem:s12+$0x190]  }
0xc9: {  	[tilespmem:s12+$0x130] =	vst v0;
	v2 =	vmul.f32 $8.000000000e+00, v5;
	v8 =	vld [tilespmem:s12+$0x1A0]  }
.Ltmp1:
0xca: {  	[tilespmem:s12+$0x140] =	vst v1;
	v5 =	vmul.f32 $8.000000000e+00, v6;
	v0 =	vld [tilespmem:s12+$0x1B0];
	(pc) =	sbr.rel @p0 .LBB2_5-.Ltmp1, $4  }
0xcb: {  	[tilespmem:s12+$0x150] =	vst v2;
	v3 =	vmul.f32 $8.000000000e+00, v3;
	v1 =	vld [tilespmem:s12+$0x1C0]  }
0xcc: {  	[tilespmem:s12+$0x160] =	vst v5;
	v6 =	vmul.f32 $8.000000000e+00, v4;
	v2 =	vld [tilespmem:s12+$0x1D0]  }
0xcd: {  	[tilespmem:s12+$0x170] =	vst v3;
	v5 =	vmul.f32 $8.000000000e+00, v7;
	v3 =	vld [tilespmem:s12+$0x1E0]  }
0xce: {  	s12 =	sadd.s32 $0x200, s12;
	v4 =	vld [tilespmem:s1+$0x0];
	[tilespmem:s1+$0x180] =	vst v6;
	v6 =	vmul.f32 $8.000000000e+00, v8  }
0xcf: {  	[tilespmem:s1+$0x190] =	vst v5;
	v0 =	vmul.f32 $8.000000000e+00, v0;
	s0 =	sshll.u32 s0, $0x1  }
0xd0: {  	[tilespmem:s1+$0x1A0] =	vst v6;
	v1 =	vmul.f32 $8.000000000e+00, v1;
	s0 =	sadd.s32 s5, s0  }
0xd1: {  	[tilespmem:s1+$0x1B0] =	vst v0;
	v61 =	vmul.f32 $8.000000000e+00, v2;
	s11 =	smul.u32 $0x640, s0  }
0xd2: {  	s31 =	sadd.s32 $0x1, s31;
	s0 =	smul.u32 $0x3200, s0;
	[tilespmem:s1+$0x1C0] =	vst v1;
	v62 =	vmul.f32 $8.000000000e+00, v3  }
0xd3: {  	p0 =	sne.s32 s31, $0x20;
	v63 =	vmul.f32 $8.000000000e+00, v4;
	[tilespmem:s1+$0x1D0] =	vst v61  }
.Ltmp2:
0xd4: {  	s0 =	sshrl.u32 s0, $0x3;
	[tilespmem:s1+$0x1E0] =	vst v62;
	(pc) =	sbr.rel @p0 .LBB2_2-.Ltmp2, $4  }
0xd5: {  	s13 =	sadd.s32 s2, s11;
	s0 =	sadd.s32 s2, s0;
	[tilespmem:s1+$0x0] =	vst v63  }
0xd6: {  	[hbm4b:s13+s3] =	stream.linear.scatter [tilespmem:s18], [sflag:$0x4], $0x3200, $0x38;
	[tilespmem:$0x12C00] =	vst v63  }
0xd7: {  	s0 =	sadd.s32 $0x640, s0  }
0xd8: {  	[hbm4b:s0+s3] =	stream.linear.scatter [tilespmem:s28], [sflag:$0x4], $0x3200, $0x38;
	[tilespmem:$0x12C00] =	vst v63  }
0xd9: {  	s30 =	sadd.s32 $0x1, s30  }
0xda: {  	_ =	swait.ge [sflag:s29], $0x3200;
	p0 =	sne.s32 s30, s7  }
.Ltmp3:
0xdb: {  	[sflag:s29] =	ssyncset.done $0x0;
	(pc) =	sbr.rel @p0 .LBB2_1-.Ltmp3, $4  }
0xdc: {  	[sflag:s29] =	ssyncadd.s32 $0xFFFFCE00  }
0xdd: {  	_ =	swait.ge [sflag:s29], $0x3200  }
0xde: {  	[sflag:s29] =	ssyncset.done $0x0  }
0xdf: {  	[sflag:s29] =	ssyncadd.s32 $0xFFFFCE00  }
0xe0: {  	_ =	sfence.sel $0x180000  }
0xe1: {  	[bflag:$0x0] =	sbarrier.arrive $0xFFFF  }
0xe2: {  	_ =	strace $0x90000047  }
0xe3: {  	s0 =	stileid.u32;
	[bflag:$0x2] =	sbarrier.arrive $0xFFFF  }
0xe4: {  	p0 =	sne.s32 s0, $0x0;
	s0 =	rddreg [dreg:$0x3]  }
0xe5: {  	s0 =	sadd.s32 @!p0 $0x100000, s0  }
0xe6: {  	[sflag:s0] =	ssyncadd.tile.s32 @!p0 $0x1;
	_ =	shalt  }
.Lfunc_end2:
_tile_overlayer_lowered:
.L_overlay_start_2:
0xe7: {  	(tag) =	ssettag $0x2  }
0xe8: {  	s0 =	rddreg [dreg:$0x0];
	s2 =	stileid.u32  }
0xe9: {  	s1 =	rddreg [dreg:$0x1];
	p0 =	sne.s32 s2, $0x0  }
0xea: {  	s3 =	rddreg [dreg:$0x2];
	[bflag:$0x3] =	sbarrier.arrive $0xFFFF;
	s2 =	simm.s32 @!p0 $0x1C05  }
0xeb: {  	[timem:s3], [sflag:s2] =	dma.local @!p0 [hbm:s0], s1  }
0xec: {  	s0 =	simm.s32 @!p0 $0x5  }
0xed: {  	_ =	swait.ge @!p0 [sflag:s0], s1  }
0xee: {  	s1 =	ssub.s32 @!p0 $0x0, s1;
	[sflag:s0] =	ssyncset.done @!p0 $0x0  }
0xef: {  	[sflag:s0] =	ssyncadd.s32 @!p0 s1  }
0xf0: {  	[bflag:$0x3] =	sbarrier.arrive $0xFFFF  }
0xf1: {  	_ =	shalt  }

// kernel: sparse-core-data-format-call.cloned.1.call-start
scs
called_computation_lowered:
.L_overlay_start_0:
0x0: {  	s2 =	sld [smem:$0x3FD9]  }
0x1: {  	s3 =	sld [smem:$0x3FFE];
	_ =	sdelay $0x1  }
0x2: {  	s1 =	srdreg.scid  }
0x3: {  	s0 =	sand.u32 $0x1, s1  }
0x4: {  	s18 =	sshll.u32 s0, $0xA;
	s2 =	sadd.s32 s3, s2  }
0x5: {  	s2 =	sadd.s32 s2, s18  }
0x6: {  	[smem:$0x3FC6] =	sst s2  }
0x7: {  	_ = 	snop  }
0x8: {  	s2 =	sld [smem:$0x3FD0];
	(tm) =	ssettm $0x1  }
0x9: {  	s19 =	sld [smem:$0x3FFB];
	_ =	sdelay $0x3  }
0xa: {  	_ =	strace s19  }
0xb: {  	s3 =	sld [smem:$0x3FFC];
	_ =	sdelay $0x3  }
0xc: {  	_ =	strace s3  }
0xd: {  	s3 =	sld [smem:$0x3FFD];
	_ =	sdelay $0x3  }
0xe: {  	_ =	strace s3  }
0xf: {  	_ =	strace $0x8FFFFFFF  }
0x10: {  	s20 =	sld [smem:$0x3FDB];
	_ =	sdelay $0x1  }
0x11: {  	s4 =	simm.s32 $_scs_section_size  }
0x12: {  	s5 =	simm.s32 $_size__tile_overlayer_lowered;
	s6 =	simm.s32 $_tile_overlayer_lowered  }
0x13: {  	s23 =	simm.s32 $0x1BFF;
	s22 =	sshll.u32 s6, $0x1;
	s3 =	sadd.s32 s4, s20  }
0x14: {  	s7 =	simm.s32 $0x0;
	s21 =	sshll.u32 s5, $0x1;
	s5 =	sadd.s32 s22, s3  }
0x15: {  	[timem:s7], [sflag:s23] =	dma.local [hbm:s5], s21  }
0x16: {  	_ =	swait.ge [sflag:s23], s21  }
0x17: {  	s4 =	ssub.s32 $0x0, s21;
	[sflag:s23] =	ssyncset.done $0x0  }
0x18: {  	[sflag:s23] =	ssyncadd.s32 s4;
	_ =	sdelay $0x1  }
0x19: {  	s24 =	simm.s32 $0x1B8B  }
0x1a: {  	_ =	swait.ge [sflag:s24], $0x1  }
0x1b: {  	[sflag:s24] =	ssyncset.done $0x0  }
0x1c: {  	s26 =	simm.s32 $0x1B8E;
	s25 =	sld [smem:$0x3FFE];
	[sflag:s24] =	ssyncadd.s32 $0xFFFFFFFF  }
0x1d: {  	s27 =	simm.s32 $execute0_lowered;
	[smem:$0x3FD2] =	sst s26  }
0x1e: {  	s5 =	sshll.u32 s27, $0x1;
	_ =	strace $0x80000049;
	[dreg:$0x1] =	wrdreg $0xFFFFFFFF  }
0x1f: {  	s28 =	simm.s32 $_size_execute0_lowered;
	s3 =	sadd.s32 s3, s5;
	[dreg:$0x0] =	wrdreg $0x0  }
0x20: {  	s5 =	sshll.u32 s28, $0x1;
	[dreg:$0x2] =	wrdreg s3  }
0x21: {  	[dreg:$0x3] =	wrdreg s5  }
0x22: {  	[dreg:$0x4] =	wrdreg $0xC0  }
0x23: {  	_ =	task [dreg:s7], $0x5FFFF  }
0x24: {  	[dreg:$0x1] =	wrdreg $0xFFFFFFFF  }
0x25: {  	[dreg:$0x0] =	wrdreg $0x60  }
0x26: {  	[dreg:$0x2] =	wrdreg s25  }
0x27: {  	[dreg:$0x3] =	wrdreg s2  }
0x28: {  	[dreg:$0x4] =	wrdreg $0x9  }
0x29: {  	_ =	task.clear_ibuf [dreg:s7], $0x5FFFF;
	_ =	strace $0x90000049  }
0x2a: {  	s29 =	simm.s32 $0x9;
	_ =	strace $0x8000004B  }
0x2b: {  	_ =	swait.ge [sflag:s29], $0x1  }
0x2c: {  	[sflag:s29] =	ssyncadd.s32 $0xFFFFFFFF  }
0x2d: {  	_ =	strace $0x9000004B  }
0x2e: {  	_ =	sfence  }
0x2f: {  	s30 =	sld [smem:$0x0];
	_ =	sdelay $0x2  }
0x30: {  	s31 =	sshll.u32 s1, $0xD;
	s1 =	sshrl.u32 s1, $0x2  }
0x31: {  	s3 =	sand.u32 $0x4000, s31;
	s1 =	sadd.s32 s1, s30  }
0x32: {  	s0 =	sor.u32 s3, s0;
	s1 =	sshll.u32 s1, $0x11  }
0x33: {  	s0 =	sor.u32 s1, s0  }
0x34: {  	s0 =	sadd.s32 $0x8F2B, s0  }
0x35: {  	[sflag:s0] =	ssyncadd.remote.s32 $0x1  }
0x36: {  	_ =	sfence.sel $0xFFFF  }
0x37: {  	[dreg:$0x0] =	wrdreg $0xFFFFFFFF;
	(pc) =	sbr.abs _section_cstart, $3  }
0x38: {  	[dreg:$0x1] =	wrdreg $0xFFFFFFFF  }
0x39: {  	_ =	task.clear_ibuf [dreg:s7], $0x2FFFF;
	_ =	strace $0x9FFFFFFF  }
0x3a: {  	(tm) =	ssettm $0x7FFFFFFF  }
0x3b: {  	_ =	shalt  }
tec
execute0_lowered:
.L_overlay_start_1:
0x0: {  	(tag) =	ssettag $0x1  }
0x1: {  	s0 =	srdreg.scid  }
0x2: {  	s1 =	sshll.u32 s0, $0x4  }
0x3: {  	s0 =	stileid.u32;
	s1 =	sand.u32 $0x10, s1  }
0x4: {  	s1 =	sor.u32 s0, s1  }
0x5: {  	s6 =	rddreg [dreg:$0x0];
	s4 =	simm.s32 $0x1;
	s2 =	sshll.u32 s1, $0x7  }
0x6: {  	s7 =	simm.s32 $0x2;
	s12 =	simm.s32 $0x0;
	s1 =	ssub.s32 $0x1000, s2  }
0x7: {  	s8 =	simm.s32 $0x8000;
	s13 =	simm.s32 $0x0;
	s3 =	sand.u32 $0xF80, s1  }
0x8: {  	s9 =	simm.s32 $0x0;
	s5 =	sshrl.u32 s1, $0xC;
	p0 =	sne.s32 s3, $0x0  }
.Ltmp0:
0x9: {  	s1 =	rddreg [dreg:$0x2];
	s4 =	simm.s32 @!p0 $0x0;
	(pc) =	sbr.rel .LBB1_1-.Ltmp0, $4  }
0xa: {  	s11 =	simm.s32 $0x0;
	s3 =	rddreg [dreg:$0x1];
	s5 =	sadd.s32 s4, s5  }
0xb: {  	_ =	strace $0x8000004A;
	s4 =	simm.s32 $0x1;
	s5 =	smul.u32 $0xC8, s5  }
0xc: {  	s6 =	sadd.s32 $0x800, s6;
	s10 =	smov.u32 s2;
	[sflag:s4] =	ssyncpa.u1 $0x0  }
0xd: {  	p0 =	por $0x0, $0x0;
	[sflag:s7] =	ssyncpa.u1 $0x0;
	s7 =	sor.u32 $0x1, s5  }
.LBB1_4:
0xe: {  	s16 =	sshll.u32 s13, $0x3;
	s17 =	sand.u32 $0x78, s13  }
0xf: {  	s30 =	sand.u32 $0x7E00, s13;
	s12 =	sshll.u32 s12, $0xF;
	s16 =	sand.u32 $0xC00, s16  }
0x10: {  	[tilespmem:s15+$0x810 ss:$0x81] =	vst.msk $0xffff, v2;
	s31 =	sand.u32 $0x7, s13;
	s16 =	sor.u32 s17, s16;
	s17 =	sadd.s32 s3, s30  }
0x11: {  	[tilespmem:s15+$0x1020 ss:$0x81] =	vst.msk $0xffff, v0;
	s13 =	sshll.u32 s31, $0x12;
	s12 =	sadd.s32 s12, s17;
	s16 =	sshrl.u32 s16, $0x3  }
0x12: {  	[tilespmem:s15+$0x0 ss:$0x81] =	vst.msk $0xffff, v1;
	s13 =	sor.u32 $0x400, s13;
	s12 =	sadd.s32 s16, s12  }
0x13: {  	[hbm4b:s12+s13] =	stream.strided.scatter [tilespmem:s14], [sflag:$0x2], $0x2000, s8, s13, $0x20;
	[tilespmem:$0x8080] =	vst v63  }
.LBB1_5:
0x14: {  	s14 =	sadd.s32 $0x1, s9  }
0x15: {  	s12 =	sadd.s32 $0x1000, s10;
	s16 =	smov.u32 s10;
	p2 =	sgt.s32 s14, $0xC7  }
0x16: {  	s16 =	smov.u32 @p2 s12  }
0x17: {  	s14 =	simm.s32 @p2 $0x0;
	p2 =	sgt.s32 s16, $0xFFF  }
0x18: {  	s16 =	smov.u32 @p2 s2;
	p2 =	sne.s32 s11, s7  }
.Ltmp1:
0x19: {  	p1 =	slt.u32 s11, $0x2;
	(pc) =	sbr.rel @!p2 .LBB1_6-.Ltmp1, $4  }
0x1a: {  	s15 =	simm.s32 @!p1 $0x2  }
0x1b: {  	s13 =	smov.u32 s10;
	p0 =	por !p0, !p0;
	_ =	swait.ge @!p1 [sflag:s15], $0x2000  }
0x1c: {  	s12 =	smov.u32 s9;
	[sflag:s15] =	ssyncset.done @!p1 $0x0;
	s9 =	smov.u32 s14  }
0x1d: {  	s11 =	sadd.s32 $0x1, s11;
	[sflag:s15] =	ssyncadd.s32 @!p1 $0xFFFFE000;
	s10 =	smov.u32 s16  }
.LBB1_1:
0x1e: {  	p1 =	sge.u32 s11, s5  }
0x1f: {  	s14 =	sand.u32 @!p1 $0x1FFFFFF, s9  }
0x20: {  	s15 =	smulhi.u32 @!p1 $0x147AE15, s14;
	_ =	sdelay $0x1  }
0x21: {  	s15 =	smul.u32 @!p1 $0xC8, s15  }
0x22: {  	s16 =	sxor.u32 @!p1 $0xFFFFFFFF, s11;
	s17 =	smul.u32 @!p1 $0xC80, s10  }
0x23: {  	s31 =	sadd.s32 $0xFFFFFFFF, s11;
	s16 =	sshll.u32 @!p1 s16, $0xD;
	s14 =	ssub.s32 @!p1 s14, s15  }
0x24: {  	s15 =	sand.u32 @!p1 $0x2000, s16;
	s16 =	sadd.s32 @!p1 s6, s17;
	s14 =	sshll.u32 @!p1 s14, $0x4  }
0x25: {  	s17 =	simm.s32 @!p1 $0x6400;
	s14 =	sadd.s32 @!p1 s14, s16;
	s16 =	simm.s32 @!p1 $0x40  }
0x26: {  	[tilespmem:s15], [sflag:$0x1] =	stream.strided.gather @!p1 [hbm4b:s14+s16], $0x2000, s17, s16, $0x38;
	[tilespmem:$0x8080] =	vst v63  }
0x27: {  	p1 =	sge.u32 s31, s5  }
.Ltmp2:
0x28: {  	_ = 	snop;
	(pc) =	sbr.rel @p1 .LBB1_5-.Ltmp2, $1  }
0x29: {  	_ =	sdelay $0x3  }
0x2a: {  	s14 =	simm.s32 $0x1  }
0x2b: {  	_ =	swait.ge [sflag:s4], $0x2000;
	s14 =	simm.s32 @!p0 $0x0  }
0x2c: {  	[sflag:s4] =	ssyncset.done $0x0;
	s15 =	sshll.u32 s14, $0xD  }
0x2d: {  	[sflag:s4] =	ssyncadd.s32 $0xFFFFE000;
	s18 =	sor.u32 $0x20, s15  }
0x2e: {  	s14 =	smul.u32 $0x8100, s14;
	v3 =	vld [tilespmem:s18+$0x10]  }
0x2f: {  	s30 =	sand.u32 $0x1, s11;
	v2 =	vld [tilespmem:s18+$0xFFFFFFF0]  }
0x30: {  	s15 =	smul.u32 $0x8100, s30;
	s14 =	sshrl.u32 s14, $0x2;
	v0 =	vld [tilespmem:s18+$0x0]  }
0x31: {  	v1 =	vld [tilespmem:s18+$0xFFFFFFE0];
	s16 =	sor.u32 $0x4000, s14  }
0x32: {  	s31 =	sshrl.u32 s15, $0x2;
	s15 =	sadd.s32 $0x0, s16  }
0x33: {  	s17 =	simm.s32 $0x4;
	s18 =	sadd.s32 $0x40, s18;
	s14 =	sor.u32 $0x4000, s31;
	[tilespmem:s15+$0x1830 ss:$0x81] =	vst.msk $0xffff, v3  }
.LBB1_3:
0x34: {  	v3 =	vld [tilespmem:s18+$0x10];
	p1 =	sne.s32 s17, $0x1FC;
	[tilespmem:s15+$0x810 ss:$0x81] =	vst.msk $0xffff, v2;
	s19 =	smov.u32 s17;
	s17 =	sadd.s32 $0x4, s17  }
.Ltmp3:
0x35: {  	v2 =	vld [tilespmem:s18+$0xFFFFFFF0];
	[tilespmem:s15+$0x1020 ss:$0x81] =	vst.msk $0xffff, v0;
	(pc) =	sbr.rel @p1 .LBB1_3-.Ltmp3, $4  }
0x36: {  	v0 =	vld [tilespmem:s18+$0x0];
	[tilespmem:s15+$0x0 ss:$0x81] =	vst.msk $0xffff, v1  }
0x37: {  	s15 =	sshra.s32 s19, $0x2;
	v1 =	vld [tilespmem:s18+$0xFFFFFFE0]  }
0x38: {  	s15 =	sadd.s32 s15, s16  }
0x39: {  	s18 =	sadd.s32 $0x40, s18;
	[tilespmem:s15+$0x1830 ss:$0x81] =	vst.msk $0xffff, v3  }
.Ltmp4:
0x3a: {  	_ = 	snop;
	(pc) =	sbr.rel .LBB1_4-.Ltmp4, $1  }
0x3b: {  	_ =	sdelay $0x3  }
.LBB1_6:
0x3c: {  	_ =	sfence.sel $0x180000  }
0x3d: {  	s2 =	simm.s32 $0x1;
	[bflag:$0x0] =	sbarrier.arrive $0xFFFF  }
0x3e: {  	s31 =	simm.s32 $0x2;
	[sflag:s2] =	ssyncpa.u1 $0x1  }
0x3f: {  	[sflag:s31] =	ssyncpa.u1 $0x1  }
0x40: {  	p0 =	sne.s32 s0, $0x0;
	_ =	strace $0x9000004A  }
0x41: {  	s0 =	sadd.s32 @!p0 $0x100000, s1;
	[bflag:$0x2] =	sbarrier.arrive $0xFFFF  }
0x42: {  	[sflag:s0] =	ssyncadd.tile.s32 @!p0 $0x1;
	_ =	shalt  }
.Lfunc_end1:
_tile_overlayer_lowered:
.L_overlay_start_2:
0x43: {  	(tag) =	ssettag $0x2  }
0x44: {  	s0 =	rddreg [dreg:$0x0];
	s2 =	stileid.u32  }
0x45: {  	s1 =	rddreg [dreg:$0x1];
	p0 =	sne.s32 s2, $0x0  }
0x46: {  	s3 =	rddreg [dreg:$0x2];
	[bflag:$0x3] =	sbarrier.arrive $0xFFFF;
	s2 =	simm.s32 @!p0 $0x1C01  }
0x47: {  	[timem:s3], [sflag:s2] =	dma.local @!p0 [hbm:s0], s1  }
0x48: {  	s0 =	simm.s32 @!p0 $0x1  }
0x49: {  	_ =	swait.ge @!p0 [sflag:s0], s1  }
0x4a: {  	s1 =	ssub.s32 @!p0 $0x0, s1;
	[sflag:s0] =	ssyncset.done @!p0 $0x0  }
0x4b: {  	[sflag:s0] =	ssyncadd.s32 @!p0 s1  }
0x4c: {  	[bflag:$0x3] =	sbarrier.arrive $0xFFFF  }
0x4d: {  	_ =	shalt  }

</sc_bundles>
